<compile_context>
chip_gen: v7x
topology: tpu7x:2x2x1
jax: 0.10.2.dev20260603
libtpu: 0.0.44.dev20260713+nightly
codegen_flags: <defaults>
</compile_context>

<pallas_src>
import jax
import jax.numpy as jnp
from jax import lax
from jax.experimental import pallas as pl
from jax.experimental.pallas import tpu as pltpu
from jax.experimental.pallas import tpu_sc as plsc

_OLD_VOCAB = 1000000
_NEW_VOCAB = 1000
_EMBED_DIM = 64

_NUM_WORKERS = 32
_CHUNK = 256
_SUB = 128
_LANES = 16
_NBUF = 2


def _body(ids_hbm, old_hbm, new_hbm, out_hbm,
          newtab_v, raw_v, idx_v, rows_v, gsems, wsems):
    n_ids = ids_hbm.shape[0]
    per_w = n_ids // _NUM_WORKERS
    n_chunks = per_w // _CHUNK
    n_steps = n_chunks // _NBUF
    wid = lax.axis_index("s") * 2 + lax.axis_index("c")
    base_w = wid * per_w

    pltpu.sync_copy(new_hbm, newtab_v)

    iota16 = lax.iota(jnp.int32, _LANES)

    def raw(b):
        return raw_v.at[pl.ds(b * _CHUNK, _CHUNK)]

    def idx(b):
        return idx_v.at[pl.ds(b * _CHUNK, _CHUNK)]

    def rows(b):
        return rows_v.at[pl.ds(b * _CHUNK, _CHUNK)]

    def load_and_clip(c, b):
        base = base_w + c * _CHUNK
        pltpu.sync_copy(ids_hbm.at[pl.ds(base, _CHUNK)], raw(b))

        def clip_body(i, _):
            v = raw_v[pl.ds(b * _CHUNK + i * _LANES, _LANES)]
            idx_v[pl.ds(b * _CHUNK + i * _LANES, _LANES)] = (
                jnp.minimum(v, _OLD_VOCAB - 1))
            return 0
        lax.fori_loop(0, _CHUNK // _LANES, clip_body, 0)

    def fire_gathers(b):
        for j in range(_CHUNK // _SUB):
            pltpu.async_copy(
                old_hbm.at[idx(b).at[pl.ds(j * _SUB, _SUB)]],
                rows(b).at[pl.ds(j * _SUB, _SUB)], gsems[b])

    def wait_gathers(b):
        for j in range(_CHUNK // _SUB):
            pltpu.make_async_copy(
                old_hbm.at[idx(b).at[pl.ds(j * _SUB, _SUB)]],
                rows(b).at[pl.ds(j * _SUB, _SUB)], gsems[b]).wait()

    def fixup(b):
        def fix_body(i, _):
            v = raw_v[pl.ds(b * _CHUNK + i * _LANES, _LANES)]
            m = v >= _OLD_VOCAB
            cnt = plsc.all_reduce_population_count(m)

            @pl.when(cnt[0] > 0)
            def _():
                nid = jnp.maximum(v - _OLD_VOCAB, 0)
                rowpos = iota16 + (b * _CHUNK + i * _LANES)

                def d_body(d, _):
                    dvec = jnp.full((_LANES,), d, jnp.int32)
                    vals = plsc.load_gather(newtab_v, [nid, dvec], mask=m)
                    plsc.store_scatter(rows_v, [rowpos, dvec], vals, mask=m)
                    return 0
                lax.fori_loop(0, _EMBED_DIM, d_body, 0)
            return 0
        lax.fori_loop(0, _CHUNK // _LANES, fix_body, 0)

    for b in range(_NBUF):
        load_and_clip(b, b)
        fire_gathers(b)

    def step(g, _):
        for b in range(_NBUF):
            c = g * _NBUF + b
            wait_gathers(b)
            fixup(b)
            wdesc = pltpu.make_async_copy(
                rows(b), out_hbm.at[pl.ds(base_w + c * _CHUNK, _CHUNK)],
                wsems[b])
            wdesc.start()

            @pl.when(g < n_steps - 1)
            def _():
                load_and_clip(c + _NBUF, b)
            wdesc.wait()

            @pl.when(g < n_steps - 1)
            def _():
                fire_gathers(b)
        return 0

    lax.fori_loop(0, n_steps, step, 0)


def kernel(input_ids, old_table, new_table):
    batch, seq = input_ids.shape
    n_ids = batch * seq
    flat_ids = input_ids.reshape(n_ids)

    mesh = plsc.VectorSubcoreMesh(core_axis_name="c", subcore_axis_name="s")
    run = pl.kernel(
        _body,
        out_type=jax.ShapeDtypeStruct((n_ids, _EMBED_DIM), jnp.float32),
        mesh=mesh,
        compiler_params=pltpu.CompilerParams(
            needs_layout_passes=False, use_tc_tiling_on_sc=False),
        scratch_types=[
            pltpu.VMEM((_NEW_VOCAB, _EMBED_DIM), jnp.float32),
            pltpu.VMEM((_NBUF * _CHUNK,), jnp.int32),
            pltpu.VMEM((_NBUF * _CHUNK,), jnp.int32),
            pltpu.VMEM((_NBUF * _CHUNK, _EMBED_DIM), jnp.float32),
            [pltpu.SemaphoreType.DMA] * _NBUF,
            [pltpu.SemaphoreType.DMA] * _NBUF,
        ],
    )
    out = run(flat_ids, old_table, new_table)
    return out.reshape(batch, seq, _EMBED_DIM)

# --- scband reference (transcript-rebuilt; emitter-appended) ---
"""Pipeline reference for scband-extended-embedding-51324859187364 (READ-ONLY COPY).

The authoritative reference and input builder live on the scoring server;
editing this copy changes nothing except your own understanding.
"""

import jax, jax.numpy as jnp
import numpy as np

OLD_VOCAB = 1000000
NEW_VOCAB = 1000
EMBED_DIM = 64
BATCH = 16384
SEQ = 200


def setup_inputs(seed: int = 0) -> dict:
    key = jax.random.key(seed)
    k1, k2, k3 = jax.random.split(key, 3)
    input_ids = jax.random.randint(k1, (BATCH, SEQ), 0, OLD_VOCAB + NEW_VOCAB, dtype=jnp.int32)
    old_table = jax.random.normal(k2, (OLD_VOCAB, EMBED_DIM), dtype=jnp.float32) * 0.02
    new_table = jax.random.normal(k3, (NEW_VOCAB, EMBED_DIM), dtype=jnp.float32) * 0.02
    return {"input_ids": input_ids, "old_table": old_table, "new_table": new_table}


def reference(input_ids, old_table, new_table):
    # Faithful translation of ExtendedEmbedding.forward:
    #   ids <  old_vocab -> gather from original embedding table
    #   ids >= old_vocab -> gather from new embedding table (shifted indices)
    old_vocab = old_table.shape[0]
    new_vocab = new_table.shape[0]
    mask_old = input_ids < old_vocab
    old_ids = jnp.clip(input_ids, 0, old_vocab - 1)
    new_ids = jnp.clip(input_ids - old_vocab, 0, new_vocab - 1)
    old_emb = jnp.take(old_table, old_ids, axis=0)
    new_emb = jnp.take(new_table, new_ids, axis=0)
    output = jnp.where(mask_old[..., None], old_emb, new_emb)
    return output

if __name__ == "__main__":
    import jax
    _d = setup_inputs()
    print(jax.jit(kernel)(*tuple(_d.values())))

</pallas_src>

<mosaic_0001>
#map = affine_map<(d0, d1) -> (0)>
#map1 = affine_map<(d0, d1) -> (0, 0)>
module attributes {stable_mosaic.version = 14 : i64} {
  func.func @_body(%arg0: i32, %arg1: i32, %arg2: memref<3276800xi32, #tpu.memory_space<hbm>>, %arg3: memref<1000000x64xf32, #tpu.memory_space<hbm>>, %arg4: memref<1000x64xf32, #tpu.memory_space<hbm>>, %arg5: memref<3276800x64xf32, #tpu.memory_space<hbm>>, %arg6: memref<1000x64xf32, #tpu.memory_space<vmem>>, %arg7: memref<512xi32, #tpu.memory_space<vmem>>, %arg8: memref<512xi32, #tpu.memory_space<vmem>>, %arg9: memref<512x64xf32, #tpu.memory_space<vmem>>, %arg10: memref<!tpu.dma_semaphore, #tpu.memory_space<semaphore_mem>>, %arg11: memref<!tpu.dma_semaphore, #tpu.memory_space<semaphore_mem>>, %arg12: memref<!tpu.dma_semaphore, #tpu.memory_space<semaphore_mem>>, %arg13: memref<!tpu.dma_semaphore, #tpu.memory_space<semaphore_mem>>) attributes {dimension_semantics = [#tpu.dimension_semantics<core_parallel>, #tpu.dimension_semantics<subcore_parallel>], iteration_bounds = array<i64: 2, 16>, scalar_prefetch = 0 : i64, scratch_operands = 8 : i64, tpu.core_type = #tpu.core_type<sc_vector_subcore>, window_params = [{transform_indices = #map}, {transform_indices = #map1}, {transform_indices = #map1}, {transform_indices = #map1}]} {
    %mul3A = arith.constant 2 : i32
    %mul3A_0 = arith.muli %arg1, %mul3A : i32
    %add3A = arith.addi %mul3A_0, %arg0 : i32
    %mul3A_1 = arith.constant 102400 : i32
    %mul3A_2 = arith.muli %add3A, %mul3A_1 : i32
    "tpu.region"() ({
      %run_scoped3A = tpu.sem_alloc : memref<!tpu.dma_semaphore, #tpu.memory_space<semaphore_mem>>
      tpu.enqueue_dma source(%arg4 : memref<1000x64xf32, #tpu.memory_space<hbm>>) target(%arg6 : memref<1000x64xf32, #tpu.memory_space<vmem>>) target_semaphore(%run_scoped3A : memref<!tpu.dma_semaphore, #tpu.memory_space<semaphore_mem>>)
      tpu.wait_dma2 semaphore(%run_scoped3A : memref<!tpu.dma_semaphore, #tpu.memory_space<semaphore_mem>>) src(%arg4 : memref<1000x64xf32, #tpu.memory_space<hbm>>) dst(%arg6 : memref<1000x64xf32, #tpu.memory_space<vmem>>)
      tpu.yield
    }) : () -> ()
    %iota3A = tpu.iota {dimensions = array<i32: 0>} : vector<16xi32>
    %add3A_3 = arith.constant 0 : i32
    %add3A_4 = arith.addi %mul3A_2, %add3A_3 : i32
    "tpu.region"() ({
      %run_scoped3A = tpu.sem_alloc : memref<!tpu.dma_semaphore, #tpu.memory_space<semaphore_mem>>
      %dma_start3A_78 = arith.constant 0 : i32
      %dma_start3A_79 = tpu.memref_slice %arg7[%dma_start3A_78] : memref<512xi32, #tpu.memory_space<vmem>> -> memref<256xi32, #tpu.memory_space<vmem>>
      %dma_start3A_80 = tpu.memref_slice %arg2[%add3A_4] : memref<3276800xi32, #tpu.memory_space<hbm>> -> memref<256xi32, #tpu.memory_space<hbm>>
      %dma_start3A_81 = arith.constant 0 : i32
      %dma_start3A_82 = tpu.memref_slice %arg7[%dma_start3A_81] : memref<512xi32, #tpu.memory_space<vmem>> -> memref<256xi32, #tpu.memory_space<vmem>>
      %dma_start3A_83 = tpu.memref_slice %arg2[%add3A_4] : memref<3276800xi32, #tpu.memory_space<hbm>> -> memref<256xi32, #tpu.memory_space<hbm>>
      tpu.enqueue_dma source(%dma_start3A_83 : memref<256xi32, #tpu.memory_space<hbm>>) target(%dma_start3A_82 : memref<256xi32, #tpu.memory_space<vmem>>) target_semaphore(%run_scoped3A : memref<!tpu.dma_semaphore, #tpu.memory_space<semaphore_mem>>)
      %dma_wait3A = arith.constant 0 : i32
      %dma_wait3A_84 = tpu.memref_slice %arg7[%dma_wait3A] : memref<512xi32, #tpu.memory_space<vmem>> -> memref<256xi32, #tpu.memory_space<vmem>>
      %dma_wait3A_85 = tpu.memref_slice %arg2[%add3A_4] : memref<3276800xi32, #tpu.memory_space<hbm>> -> memref<256xi32, #tpu.memory_space<hbm>>
      %dma_wait3A_86 = arith.constant 0 : i32
      %dma_wait3A_87 = tpu.memref_slice %arg7[%dma_wait3A_86] : memref<512xi32, #tpu.memory_space<vmem>> -> memref<256xi32, #tpu.memory_space<vmem>>
      %dma_wait3A_88 = tpu.memref_slice %arg2[%add3A_4] : memref<3276800xi32, #tpu.memory_space<hbm>> -> memref<256xi32, #tpu.memory_space<hbm>>
      tpu.wait_dma2 semaphore(%run_scoped3A : memref<!tpu.dma_semaphore, #tpu.memory_space<semaphore_mem>>) src(%dma_wait3A_88 : memref<256xi32, #tpu.memory_space<hbm>>) dst(%dma_wait3A_87 : memref<256xi32, #tpu.memory_space<vmem>>)
      tpu.yield
    }) : () -> ()
    %scan3A = arith.constant 0 : i32
    %scan3A_5 = arith.constant 0 : i32
    %scan3A_6 = arith.constant 16 : i32
    %scan3A_7 = arith.addi %scan3A_5, %scan3A_6 : i32
    %scan3A_8 = arith.constant 1 : i32
    %scan3A_9 = scf.for %scan3A_78 = %scan3A_5 to %scan3A_7 step %scan3A_8 iter_args(%scan3A_79 = %scan3A) -> (i32)  : i32 {
      %mul3A_80 = arith.constant 16 : i32
      %mul3A_81 = arith.muli %scan3A_78, %mul3A_80 : i32
      %add3A_82 = arith.constant 0 : i32
      %add3A_83 = arith.addi %add3A_82, %mul3A_81 : i32
      %get3A = arith.index_cast %add3A_83 : i32 to index
      %get3A_84 = tpu.vector_load %arg7[%get3A] {strides = array<i32>} : memref<512xi32, #tpu.memory_space<vmem>>, vector<16xi32>,
      %min3A = arith.constant 999999 : i32
      %min3A_85 = vector.broadcast %min3A : i32 to vector<16xi32>
      %min3A_86 = arith.minsi %get3A_84, %min3A_85 : vector<16xi32>
      %mul3A_87 = arith.constant 16 : i32
      %mul3A_88 = arith.muli %scan3A_78, %mul3A_87 : i32
      %add3A_89 = arith.constant 0 : i32
      %add3A_90 = arith.addi %add3A_89, %mul3A_88 : i32
      %swap3A = arith.index_cast %add3A_90 : i32 to index
      %swap3A_91 = tpu.vector_load %arg8[%swap3A] {strides = array<i32>} : memref<512xi32, #tpu.memory_space<vmem>>, vector<16xi32>,
      tpu.vector_store %arg8[%swap3A], %min3A_86 {strides = array<i32>} : memref<512xi32, #tpu.memory_space<vmem>>, vector<16xi32>,
      %scan3A_92 = arith.constant 0 : i32
      scf.yield %scan3A_92 : i32
    }
    %scan3A_10 = arith.constant 16 : i32
    %dma_start3A = arith.constant 0 : i32
    %dma_start3A_11 = arith.constant 0 : i32
    %dma_start3A_12 = tpu.memref_slice %arg9[%dma_start3A, %dma_start3A_11] : memref<512x64xf32, #tpu.memory_space<vmem>> -> memref<256x64xf32, #tpu.memory_space<vmem>>
    %dma_start3A_13 = arith.constant 0 : i32
    %dma_start3A_14 = arith.constant 0 : i32
    %dma_start3A_15 = tpu.memref_slice %dma_start3A_12[%dma_start3A_13, %dma_start3A_14] : memref<256x64xf32, #tpu.memory_space<vmem>> -> memref<128x64xf32, #tpu.memory_space<vmem>>
    %dma_start3A_16 = arith.constant 0 : i32
    %dma_start3A_17 = tpu.memref_slice %arg8[%dma_start3A_16] : memref<512xi32, #tpu.memory_space<vmem>> -> memref<256xi32, #tpu.memory_space<vmem>>
    %dma_start3A_18 = arith.constant 0 : i32
    %dma_start3A_19 = tpu.memref_slice %dma_start3A_17[%dma_start3A_18] : memref<256xi32, #tpu.memory_space<vmem>> -> memref<128xi32, #tpu.memory_space<vmem>>
    %dma_start3A_20 = arith.constant 0 : i32
    %dma_start3A_21 = arith.constant 0 : i32
    %dma_start3A_22 = tpu.memref_slice %arg3[%dma_start3A_20, %dma_start3A_21] : memref<1000000x64xf32, #tpu.memory_space<hbm>> -> memref<1000000x64xf32, #tpu.memory_space<hbm>>
    tpu.enqueue_indirect_dma source(%dma_start3A_22 : memref<1000000x64xf32, #tpu.memory_space<hbm>>) target(%dma_start3A_15 : memref<128x64xf32, #tpu.memory_space<vmem>>) offsets(%dma_start3A_19 : memref<128xi32, #tpu.memory_space<vmem>>) semaphore(%arg10 : memref<!tpu.dma_semaphore, #tpu.memory_space<semaphore_mem>>)
    %dma_start3A_23 = arith.constant 0 : i32
    %dma_start3A_24 = arith.constant 0 : i32
    %dma_start3A_25 = tpu.memref_slice %arg9[%dma_start3A_23, %dma_start3A_24] : memref<512x64xf32, #tpu.memory_space<vmem>> -> memref<256x64xf32, #tpu.memory_space<vmem>>
    %dma_start3A_26 = arith.constant 128 : i32
    %dma_start3A_27 = arith.constant 0 : i32
    %dma_start3A_28 = tpu.memref_slice %dma_start3A_25[%dma_start3A_26, %dma_start3A_27] : memref<256x64xf32, #tpu.memory_space<vmem>> -> memref<128x64xf32, #tpu.memory_space<vmem>>
    %dma_start3A_29 = arith.constant 0 : i32
    %dma_start3A_30 = tpu.memref_slice %arg8[%dma_start3A_29] : memref<512xi32, #tpu.memory_space<vmem>> -> memref<256xi32, #tpu.memory_space<vmem>>
    %dma_start3A_31 = arith.constant 128 : i32
    %dma_start3A_32 = tpu.memref_slice %dma_start3A_30[%dma_start3A_31] : memref<256xi32, #tpu.memory_space<vmem>> -> memref<128xi32, #tpu.memory_space<vmem>>
    %dma_start3A_33 = arith.constant 0 : i32
    %dma_start3A_34 = arith.constant 0 : i32
    %dma_start3A_35 = tpu.memref_slice %arg3[%dma_start3A_33, %dma_start3A_34] : memref<1000000x64xf32, #tpu.memory_space<hbm>> -> memref<1000000x64xf32, #tpu.memory_space<hbm>>
    tpu.enqueue_indirect_dma source(%dma_start3A_35 : memref<1000000x64xf32, #tpu.memory_space<hbm>>) target(%dma_start3A_28 : memref<128x64xf32, #tpu.memory_space<vmem>>) offsets(%dma_start3A_32 : memref<128xi32, #tpu.memory_space<vmem>>) semaphore(%arg10 : memref<!tpu.dma_semaphore, #tpu.memory_space<semaphore_mem>>)
    %add3A_36 = arith.constant 256 : i32
    %add3A_37 = arith.addi %mul3A_2, %add3A_36 : i32
    "tpu.region"() ({
      %run_scoped3A = tpu.sem_alloc : memref<!tpu.dma_semaphore, #tpu.memory_space<semaphore_mem>>
      %dma_start3A_78 = arith.constant 256 : i32
      %dma_start3A_79 = tpu.memref_slice %arg7[%dma_start3A_78] : memref<512xi32, #tpu.memory_space<vmem>> -> memref<256xi32, #tpu.memory_space<vmem>>
      %dma_start3A_80 = tpu.memref_slice %arg2[%add3A_37] : memref<3276800xi32, #tpu.memory_space<hbm>> -> memref<256xi32, #tpu.memory_space<hbm>>
      %dma_start3A_81 = arith.constant 256 : i32
      %dma_start3A_82 = tpu.memref_slice %arg7[%dma_start3A_81] : memref<512xi32, #tpu.memory_space<vmem>> -> memref<256xi32, #tpu.memory_space<vmem>>
      %dma_start3A_83 = tpu.memref_slice %arg2[%add3A_37] : memref<3276800xi32, #tpu.memory_space<hbm>> -> memref<256xi32, #tpu.memory_space<hbm>>
      tpu.enqueue_dma source(%dma_start3A_83 : memref<256xi32, #tpu.memory_space<hbm>>) target(%dma_start3A_82 : memref<256xi32, #tpu.memory_space<vmem>>) target_semaphore(%run_scoped3A : memref<!tpu.dma_semaphore, #tpu.memory_space<semaphore_mem>>)
      %dma_wait3A = arith.constant 256 : i32
      %dma_wait3A_84 = tpu.memref_slice %arg7[%dma_wait3A] : memref<512xi32, #tpu.memory_space<vmem>> -> memref<256xi32, #tpu.memory_space<vmem>>
      %dma_wait3A_85 = tpu.memref_slice %arg2[%add3A_37] : memref<3276800xi32, #tpu.memory_space<hbm>> -> memref<256xi32, #tpu.memory_space<hbm>>
      %dma_wait3A_86 = arith.constant 256 : i32
      %dma_wait3A_87 = tpu.memref_slice %arg7[%dma_wait3A_86] : memref<512xi32, #tpu.memory_space<vmem>> -> memref<256xi32, #tpu.memory_space<vmem>>
      %dma_wait3A_88 = tpu.memref_slice %arg2[%add3A_37] : memref<3276800xi32, #tpu.memory_space<hbm>> -> memref<256xi32, #tpu.memory_space<hbm>>
      tpu.wait_dma2 semaphore(%run_scoped3A : memref<!tpu.dma_semaphore, #tpu.memory_space<semaphore_mem>>) src(%dma_wait3A_88 : memref<256xi32, #tpu.memory_space<hbm>>) dst(%dma_wait3A_87 : memref<256xi32, #tpu.memory_space<vmem>>)
      tpu.yield
    }) : () -> ()
    %scan3A_38 = arith.constant 0 : i32
    %scan3A_39 = arith.constant 0 : i32
    %scan3A_40 = arith.constant 16 : i32
    %scan3A_41 = arith.addi %scan3A_39, %scan3A_40 : i32
    %scan3A_42 = arith.constant 1 : i32
    %scan3A_43 = scf.for %scan3A_78 = %scan3A_39 to %scan3A_41 step %scan3A_42 iter_args(%scan3A_79 = %scan3A_38) -> (i32)  : i32 {
      %mul3A_80 = arith.constant 16 : i32
      %mul3A_81 = arith.muli %scan3A_78, %mul3A_80 : i32
      %add3A_82 = arith.constant 256 : i32
      %add3A_83 = arith.addi %add3A_82, %mul3A_81 : i32
      %get3A = arith.index_cast %add3A_83 : i32 to index
      %get3A_84 = tpu.vector_load %arg7[%get3A] {strides = array<i32>} : memref<512xi32, #tpu.memory_space<vmem>>, vector<16xi32>,
      %min3A = arith.constant 999999 : i32
      %min3A_85 = vector.broadcast %min3A : i32 to vector<16xi32>
      %min3A_86 = arith.minsi %get3A_84, %min3A_85 : vector<16xi32>
      %mul3A_87 = arith.constant 16 : i32
      %mul3A_88 = arith.muli %scan3A_78, %mul3A_87 : i32
      %add3A_89 = arith.constant 256 : i32
      %add3A_90 = arith.addi %add3A_89, %mul3A_88 : i32
      %swap3A = arith.index_cast %add3A_90 : i32 to index
      %swap3A_91 = tpu.vector_load %arg8[%swap3A] {strides = array<i32>} : memref<512xi32, #tpu.memory_space<vmem>>, vector<16xi32>,
      tpu.vector_store %arg8[%swap3A], %min3A_86 {strides = array<i32>} : memref<512xi32, #tpu.memory_space<vmem>>, vector<16xi32>,
      %scan3A_92 = arith.constant 0 : i32
      scf.yield %scan3A_92 : i32
    }
    %scan3A_44 = arith.constant 16 : i32
    %dma_start3A_45 = arith.constant 256 : i32
    %dma_start3A_46 = arith.constant 0 : i32
    %dma_start3A_47 = tpu.memref_slice %arg9[%dma_start3A_45, %dma_start3A_46] : memref<512x64xf32, #tpu.memory_space<vmem>> -> memref<256x64xf32, #tpu.memory_space<vmem>>
    %dma_start3A_48 = arith.constant 0 : i32
    %dma_start3A_49 = arith.constant 0 : i32
    %dma_start3A_50 = tpu.memref_slice %dma_start3A_47[%dma_start3A_48, %dma_start3A_49] : memref<256x64xf32, #tpu.memory_space<vmem>> -> memref<128x64xf32, #tpu.memory_space<vmem>>
    %dma_start3A_51 = arith.constant 256 : i32
    %dma_start3A_52 = tpu.memref_slice %arg8[%dma_start3A_51] : memref<512xi32, #tpu.memory_space<vmem>> -> memref<256xi32, #tpu.memory_space<vmem>>
    %dma_start3A_53 = arith.constant 0 : i32
    %dma_start3A_54 = tpu.memref_slice %dma_start3A_52[%dma_start3A_53] : memref<256xi32, #tpu.memory_space<vmem>> -> memref<128xi32, #tpu.memory_space<vmem>>
    %dma_start3A_55 = arith.constant 0 : i32
    %dma_start3A_56 = arith.constant 0 : i32
    %dma_start3A_57 = tpu.memref_slice %arg3[%dma_start3A_55, %dma_start3A_56] : memref<1000000x64xf32, #tpu.memory_space<hbm>> -> memref<1000000x64xf32, #tpu.memory_space<hbm>>
    tpu.enqueue_indirect_dma source(%dma_start3A_57 : memref<1000000x64xf32, #tpu.memory_space<hbm>>) target(%dma_start3A_50 : memref<128x64xf32, #tpu.memory_space<vmem>>) offsets(%dma_start3A_54 : memref<128xi32, #tpu.memory_space<vmem>>) semaphore(%arg11 : memref<!tpu.dma_semaphore, #tpu.memory_space<semaphore_mem>>)
    %dma_start3A_58 = arith.constant 256 : i32
    %dma_start3A_59 = arith.constant 0 : i32
    %dma_start3A_60 = tpu.memref_slice %arg9[%dma_start3A_58, %dma_start3A_59] : memref<512x64xf32, #tpu.memory_space<vmem>> -> memref<256x64xf32, #tpu.memory_space<vmem>>
    %dma_start3A_61 = arith.constant 128 : i32
    %dma_start3A_62 = arith.constant 0 : i32
    %dma_start3A_63 = tpu.memref_slice %dma_start3A_60[%dma_start3A_61, %dma_start3A_62] : memref<256x64xf32, #tpu.memory_space<vmem>> -> memref<128x64xf32, #tpu.memory_space<vmem>>
    %dma_start3A_64 = arith.constant 256 : i32
    %dma_start3A_65 = tpu.memref_slice %arg8[%dma_start3A_64] : memref<512xi32, #tpu.memory_space<vmem>> -> memref<256xi32, #tpu.memory_space<vmem>>
    %dma_start3A_66 = arith.constant 128 : i32
    %dma_start3A_67 = tpu.memref_slice %dma_start3A_65[%dma_start3A_66] : memref<256xi32, #tpu.memory_space<vmem>> -> memref<128xi32, #tpu.memory_space<vmem>>
    %dma_start3A_68 = arith.constant 0 : i32
    %dma_start3A_69 = arith.constant 0 : i32
    %dma_start3A_70 = tpu.memref_slice %arg3[%dma_start3A_68, %dma_start3A_69] : memref<1000000x64xf32, #tpu.memory_space<hbm>> -> memref<1000000x64xf32, #tpu.memory_space<hbm>>
    tpu.enqueue_indirect_dma source(%dma_start3A_70 : memref<1000000x64xf32, #tpu.memory_space<hbm>>) target(%dma_start3A_63 : memref<128x64xf32, #tpu.memory_space<vmem>>) offsets(%dma_start3A_67 : memref<128xi32, #tpu.memory_space<vmem>>) semaphore(%arg11 : memref<!tpu.dma_semaphore, #tpu.memory_space<semaphore_mem>>)
    %scan3A_71 = arith.constant 0 : i32
    %scan3A_72 = arith.constant 0 : i32
    %scan3A_73 = arith.constant 200 : i32
    %scan3A_74 = arith.addi %scan3A_72, %scan3A_73 : i32
    %scan3A_75 = arith.constant 1 : i32
    %scan3A_76 = scf.for %scan3A_78 = %scan3A_72 to %scan3A_74 step %scan3A_75 iter_args(%scan3A_79 = %scan3A_71) -> (i32)  : i32 {
      %mul3A_80 = arith.constant 2 : i32
      %mul3A_81 = arith.muli %scan3A_78, %mul3A_80 : i32
      %add3A_82 = arith.constant 0 : i32
      %add3A_83 = arith.addi %mul3A_81, %add3A_82 : i32
      %dma_wait3A = arith.constant 0 : i32
      %dma_wait3A_84 = arith.constant 0 : i32
      %dma_wait3A_85 = tpu.memref_slice %arg9[%dma_wait3A, %dma_wait3A_84] : memref<512x64xf32, #tpu.memory_space<vmem>> -> memref<256x64xf32, #tpu.memory_space<vmem>>
      %dma_wait3A_86 = arith.constant 0 : i32
      %dma_wait3A_87 = arith.constant 0 : i32
      %dma_wait3A_88 = tpu.memref_slice %dma_wait3A_85[%dma_wait3A_86, %dma_wait3A_87] : memref<256x64xf32, #tpu.memory_space<vmem>> -> memref<128x64xf32, #tpu.memory_space<vmem>>
      %dma_wait3A_89 = arith.constant 0 : i32
      %dma_wait3A_90 = tpu.memref_slice %arg8[%dma_wait3A_89] : memref<512xi32, #tpu.memory_space<vmem>> -> memref<256xi32, #tpu.memory_space<vmem>>
      %dma_wait3A_91 = arith.constant 0 : i32
      %dma_wait3A_92 = tpu.memref_slice %dma_wait3A_90[%dma_wait3A_91] : memref<256xi32, #tpu.memory_space<vmem>> -> memref<128xi32, #tpu.memory_space<vmem>>
      %dma_wait3A_93 = arith.constant 0 : i32
      %dma_wait3A_94 = arith.constant 0 : i32
      %dma_wait3A_95 = tpu.memref_slice %arg3[%dma_wait3A_93, %dma_wait3A_94] : memref<1000000x64xf32, #tpu.memory_space<hbm>> -> memref<1000000x64xf32, #tpu.memory_space<hbm>>
      tpu.wait_indirect_dma semaphore(%arg10 : memref<!tpu.dma_semaphore, #tpu.memory_space<semaphore_mem>>) src(%dma_wait3A_95 : memref<1000000x64xf32, #tpu.memory_space<hbm>>) dst(%dma_wait3A_88 : memref<128x64xf32, #tpu.memory_space<vmem>>)
      %dma_wait3A_96 = arith.constant 0 : i32
      %dma_wait3A_97 = arith.constant 0 : i32
      %dma_wait3A_98 = tpu.memref_slice %arg9[%dma_wait3A_96, %dma_wait3A_97] : memref<512x64xf32, #tpu.memory_space<vmem>> -> memref<256x64xf32, #tpu.memory_space<vmem>>
      %dma_wait3A_99 = arith.constant 128 : i32
      %dma_wait3A_100 = arith.constant 0 : i32
      %dma_wait3A_101 = tpu.memref_slice %dma_wait3A_98[%dma_wait3A_99, %dma_wait3A_100] : memref<256x64xf32, #tpu.memory_space<vmem>> -> memref<128x64xf32, #tpu.memory_space<vmem>>
      %dma_wait3A_102 = arith.constant 0 : i32
      %dma_wait3A_103 = tpu.memref_slice %arg8[%dma_wait3A_102] : memref<512xi32, #tpu.memory_space<vmem>> -> memref<256xi32, #tpu.memory_space<vmem>>
      %dma_wait3A_104 = arith.constant 128 : i32
      %dma_wait3A_105 = tpu.memref_slice %dma_wait3A_103[%dma_wait3A_104] : memref<256xi32, #tpu.memory_space<vmem>> -> memref<128xi32, #tpu.memory_space<vmem>>
      %dma_wait3A_106 = arith.constant 0 : i32
      %dma_wait3A_107 = arith.constant 0 : i32
      %dma_wait3A_108 = tpu.memref_slice %arg3[%dma_wait3A_106, %dma_wait3A_107] : memref<1000000x64xf32, #tpu.memory_space<hbm>> -> memref<1000000x64xf32, #tpu.memory_space<hbm>>
      tpu.wait_indirect_dma semaphore(%arg10 : memref<!tpu.dma_semaphore, #tpu.memory_space<semaphore_mem>>) src(%dma_wait3A_108 : memref<1000000x64xf32, #tpu.memory_space<hbm>>) dst(%dma_wait3A_101 : memref<128x64xf32, #tpu.memory_space<vmem>>)
      %scan3A_109 = arith.constant 0 : i32
      %scan3A_110 = arith.constant 0 : i32
      %scan3A_111 = arith.constant 16 : i32
      %scan3A_112 = arith.addi %scan3A_110, %scan3A_111 : i32
      %scan3A_113 = arith.constant 1 : i32
      %scan3A_114 = scf.for %scan3A_217 = %scan3A_110 to %scan3A_112 step %scan3A_113 iter_args(%scan3A_218 = %scan3A_109) -> (i32)  : i32 {
        %mul3A_219 = arith.constant 16 : i32
        %mul3A_220 = arith.muli %scan3A_217, %mul3A_219 : i32
        %add3A_221 = arith.constant 0 : i32
        %add3A_222 = arith.addi %add3A_221, %mul3A_220 : i32
        %get3A = arith.index_cast %add3A_222 : i32 to index
        %get3A_223 = tpu.vector_load %arg7[%get3A] {strides = array<i32>} : memref<512xi32, #tpu.memory_space<vmem>>, vector<16xi32>,
        %ge3A = arith.constant 1000000 : i32
        %ge3A_224 = vector.broadcast %ge3A : i32 to vector<16xi32>
        %ge3A_225 = arith.cmpi sge, %get3A_223, %ge3A_224 : vector<16xi32>
        %all_reduce_population_count3A = tpu.all_reduce %ge3A_225 {dim = 0 : i64, kind = #tpu.reduction_kind<sum>} : vector<16xi1> -> vector<16xi32>
        %slice3A = vector.extract_strided_slice %all_reduce_population_count3A {offsets = [0], sizes = [1], strides = [1]} : vector<16xi32> to vector<1xi32>
        %squeeze3A = vector.extract %slice3A[0] : i32 from vector<1xi32>
        %gt3A = arith.constant 0 : i32
        %gt3A_226 = arith.cmpi sgt, %squeeze3A, %gt3A : i32
        %convert_element_type3A_227 = arith.extui %gt3A_226 : i1 to i32
        %cond3A_228 = arith.constant 0 : i32
        %cond3A_229 = arith.cmpi ne, %convert_element_type3A_227, %cond3A_228 : i32
        scf.if %cond3A_229 {
          %sub3A = arith.constant 1000000 : i32
          %sub3A_231 = vector.broadcast %sub3A : i32 to vector<16xi32>
          %sub3A_232 = arith.subi %get3A_223, %sub3A_231 : vector<16xi32>
          %max3A = arith.constant 0 : i32
          %max3A_233 = vector.broadcast %max3A : i32 to vector<16xi32>
          %max3A_234 = arith.maxsi %sub3A_232, %max3A_233 : vector<16xi32>
          %mul3A_235 = arith.constant 16 : i32
          %mul3A_236 = arith.muli %scan3A_217, %mul3A_235 : i32
          %add3A_237 = arith.constant 0 : i32
          %add3A_238 = arith.addi %add3A_237, %mul3A_236 : i32
          %add3A_239 = vector.broadcast %add3A_238 : i32 to vector<16xi32>
          %add3A_240 = arith.addi %iota3A, %add3A_239 : vector<16xi32>
          %scan3A_241 = arith.constant 0 : i32
          %scan3A_242 = arith.constant 0 : i32
          %scan3A_243 = arith.constant 64 : i32
          %scan3A_244 = arith.addi %scan3A_242, %scan3A_243 : i32
          %scan3A_245 = arith.constant 1 : i32
          %scan3A_246 = scf.for %scan3A_248 = %scan3A_242 to %scan3A_244 step %scan3A_245 iter_args(%scan3A_249 = %scan3A_241) -> (i32)  : i32 {
            %broadcast_in_dim3A = vector.broadcast %scan3A_248 : i32 to vector<16xi32>
            %gather3A = tpu.vector_load_idx %arg6[%max3A_234, %broadcast_in_dim3A] masked %ge3A_225 : memref<1000x64xf32, #tpu.memory_space<vmem>>[vector<16xi32>, vector<16xi32>], vector<16xf32>, vector<16xi1>
            tpu.vector_store_idx %arg9[%add3A_240, %broadcast_in_dim3A], %gather3A masked %ge3A_225 : memref<512x64xf32, #tpu.memory_space<vmem>>[vector<16xi32>, vector<16xi32>], vector<16xf32>, vector<16xi1>
            %scan3A_250 = arith.constant 0 : i32
            scf.yield %scan3A_250 : i32
          }
          %scan3A_247 = arith.constant 64 : i32
        } else {
        }
        %scan3A_230 = arith.constant 0 : i32
        scf.yield %scan3A_230 : i32
      }
      %scan3A_115 = arith.constant 16 : i32
      %mul3A_116 = arith.constant 256 : i32
      %mul3A_117 = arith.muli %add3A_83, %mul3A_116 : i32
      %add3A_118 = arith.addi %mul3A_2, %mul3A_117 : i32
      %dma_start3A_119 = arith.constant 0 : i32
      %dma_start3A_120 = arith.constant 0 : i32
      %dma_start3A_121 = tpu.memref_slice %arg9[%dma_start3A_119, %dma_start3A_120] : memref<512x64xf32, #tpu.memory_space<vmem>> -> memref<256x64xf32, #tpu.memory_space<vmem>>
      %dma_start3A_122 = arith.constant 0 : i32
      %dma_start3A_123 = tpu.memref_slice %arg5[%add3A_118, %dma_start3A_122] : memref<3276800x64xf32, #tpu.memory_space<hbm>> -> memref<256x64xf32, #tpu.memory_space<hbm>>
      %dma_start3A_124 = arith.constant 0 : i32
      %dma_start3A_125 = tpu.memref_slice %arg5[%add3A_118, %dma_start3A_124] : memref<3276800x64xf32, #tpu.memory_space<hbm>> -> memref<256x64xf32, #tpu.memory_space<hbm>>
      %dma_start3A_126 = arith.constant 0 : i32
      %dma_start3A_127 = arith.constant 0 : i32
      %dma_start3A_128 = tpu.memref_slice %arg9[%dma_start3A_126, %dma_start3A_127] : memref<512x64xf32, #tpu.memory_space<vmem>> -> memref<256x64xf32, #tpu.memory_space<vmem>>
      tpu.enqueue_dma source(%dma_start3A_128 : memref<256x64xf32, #tpu.memory_space<vmem>>) target(%dma_start3A_125 : memref<256x64xf32, #tpu.memory_space<hbm>>) target_semaphore(%arg12 : memref<!tpu.dma_semaphore, #tpu.memory_space<semaphore_mem>>)
      %lt3A = arith.constant 199 : i32
      %lt3A_129 = arith.cmpi slt, %scan3A_78, %lt3A : i32
      %convert_element_type3A = arith.extui %lt3A_129 : i1 to i32
      %cond3A = arith.constant 0 : i32
      %cond3A_130 = arith.cmpi ne, %convert_element_type3A, %cond3A : i32
      scf.if %cond3A_130 {
        %add3A_217 = arith.constant 2 : i32
        %add3A_218 = arith.addi %add3A_83, %add3A_217 : i32
        %mul3A_219 = arith.constant 256 : i32
        %mul3A_220 = arith.muli %add3A_218, %mul3A_219 : i32
        %add3A_221 = arith.addi %mul3A_2, %mul3A_220 : i32
        "tpu.region"() ({
          %run_scoped3A = tpu.sem_alloc : memref<!tpu.dma_semaphore, #tpu.memory_space<semaphore_mem>>
          %dma_start3A_229 = arith.constant 0 : i32
          %dma_start3A_230 = tpu.memref_slice %arg7[%dma_start3A_229] : memref<512xi32, #tpu.memory_space<vmem>> -> memref<256xi32, #tpu.memory_space<vmem>>
          %dma_start3A_231 = tpu.memref_slice %arg2[%add3A_221] : memref<3276800xi32, #tpu.memory_space<hbm>> -> memref<256xi32, #tpu.memory_space<hbm>>
          %dma_start3A_232 = arith.constant 0 : i32
          %dma_start3A_233 = tpu.memref_slice %arg7[%dma_start3A_232] : memref<512xi32, #tpu.memory_space<vmem>> -> memref<256xi32, #tpu.memory_space<vmem>>
          %dma_start3A_234 = tpu.memref_slice %arg2[%add3A_221] : memref<3276800xi32, #tpu.memory_space<hbm>> -> memref<256xi32, #tpu.memory_space<hbm>>
          tpu.enqueue_dma source(%dma_start3A_234 : memref<256xi32, #tpu.memory_space<hbm>>) target(%dma_start3A_233 : memref<256xi32, #tpu.memory_space<vmem>>) target_semaphore(%run_scoped3A : memref<!tpu.dma_semaphore, #tpu.memory_space<semaphore_mem>>)
          %dma_wait3A_235 = arith.constant 0 : i32
          %dma_wait3A_236 = tpu.memref_slice %arg7[%dma_wait3A_235] : memref<512xi32, #tpu.memory_space<vmem>> -> memref<256xi32, #tpu.memory_space<vmem>>
          %dma_wait3A_237 = tpu.memref_slice %arg2[%add3A_221] : memref<3276800xi32, #tpu.memory_space<hbm>> -> memref<256xi32, #tpu.memory_space<hbm>>
          %dma_wait3A_238 = arith.constant 0 : i32
          %dma_wait3A_239 = tpu.memref_slice %arg7[%dma_wait3A_238] : memref<512xi32, #tpu.memory_space<vmem>> -> memref<256xi32, #tpu.memory_space<vmem>>
          %dma_wait3A_240 = tpu.memref_slice %arg2[%add3A_221] : memref<3276800xi32, #tpu.memory_space<hbm>> -> memref<256xi32, #tpu.memory_space<hbm>>
          tpu.wait_dma2 semaphore(%run_scoped3A : memref<!tpu.dma_semaphore, #tpu.memory_space<semaphore_mem>>) src(%dma_wait3A_240 : memref<256xi32, #tpu.memory_space<hbm>>) dst(%dma_wait3A_239 : memref<256xi32, #tpu.memory_space<vmem>>)
          tpu.yield
        }) : () -> ()
        %scan3A_222 = arith.constant 0 : i32
        %scan3A_223 = arith.constant 0 : i32
        %scan3A_224 = arith.constant 16 : i32
        %scan3A_225 = arith.addi %scan3A_223, %scan3A_224 : i32
        %scan3A_226 = arith.constant 1 : i32
        %scan3A_227 = scf.for %scan3A_229 = %scan3A_223 to %scan3A_225 step %scan3A_226 iter_args(%scan3A_230 = %scan3A_222) -> (i32)  : i32 {
          %mul3A_231 = arith.constant 16 : i32
          %mul3A_232 = arith.muli %scan3A_229, %mul3A_231 : i32
          %add3A_233 = arith.constant 0 : i32
          %add3A_234 = arith.addi %add3A_233, %mul3A_232 : i32
          %get3A = arith.index_cast %add3A_234 : i32 to index
          %get3A_235 = tpu.vector_load %arg7[%get3A] {strides = array<i32>} : memref<512xi32, #tpu.memory_space<vmem>>, vector<16xi32>,
          %min3A = arith.constant 999999 : i32
          %min3A_236 = vector.broadcast %min3A : i32 to vector<16xi32>
          %min3A_237 = arith.minsi %get3A_235, %min3A_236 : vector<16xi32>
          %mul3A_238 = arith.constant 16 : i32
          %mul3A_239 = arith.muli %scan3A_229, %mul3A_238 : i32
          %add3A_240 = arith.constant 0 : i32
          %add3A_241 = arith.addi %add3A_240, %mul3A_239 : i32
          %swap3A = arith.index_cast %add3A_241 : i32 to index
          %swap3A_242 = tpu.vector_load %arg8[%swap3A] {strides = array<i32>} : memref<512xi32, #tpu.memory_space<vmem>>, vector<16xi32>,
          tpu.vector_store %arg8[%swap3A], %min3A_237 {strides = array<i32>} : memref<512xi32, #tpu.memory_space<vmem>>, vector<16xi32>,
          %scan3A_243 = arith.constant 0 : i32
          scf.yield %scan3A_243 : i32
        }
        %scan3A_228 = arith.constant 16 : i32
      } else {
      }
      %dma_wait3A_131 = arith.constant 0 : i32
      %dma_wait3A_132 = arith.constant 0 : i32
      %dma_wait3A_133 = tpu.memref_slice %arg9[%dma_wait3A_131, %dma_wait3A_132] : memref<512x64xf32, #tpu.memory_space<vmem>> -> memref<256x64xf32, #tpu.memory_space<vmem>>
      %dma_wait3A_134 = arith.constant 0 : i32
      %dma_wait3A_135 = tpu.memref_slice %arg5[%add3A_118, %dma_wait3A_134] : memref<3276800x64xf32, #tpu.memory_space<hbm>> -> memref<256x64xf32, #tpu.memory_space<hbm>>
      %dma_wait3A_136 = arith.constant 0 : i32
      %dma_wait3A_137 = tpu.memref_slice %arg5[%add3A_118, %dma_wait3A_136] : memref<3276800x64xf32, #tpu.memory_space<hbm>> -> memref<256x64xf32, #tpu.memory_space<hbm>>
      %dma_wait3A_138 = arith.constant 0 : i32
      %dma_wait3A_139 = arith.constant 0 : i32
      %dma_wait3A_140 = tpu.memref_slice %arg9[%dma_wait3A_138, %dma_wait3A_139] : memref<512x64xf32, #tpu.memory_space<vmem>> -> memref<256x64xf32, #tpu.memory_space<vmem>>
      tpu.wait_dma2 semaphore(%arg12 : memref<!tpu.dma_semaphore, #tpu.memory_space<semaphore_mem>>) src(%dma_wait3A_140 : memref<256x64xf32, #tpu.memory_space<vmem>>) dst(%dma_wait3A_137 : memref<256x64xf32, #tpu.memory_space<hbm>>)
      %lt3A_141 = arith.constant 199 : i32
      %lt3A_142 = arith.cmpi slt, %scan3A_78, %lt3A_141 : i32
      %convert_element_type3A_143 = arith.extui %lt3A_142 : i1 to i32
      %cond3A_144 = arith.constant 0 : i32
      %cond3A_145 = arith.cmpi ne, %convert_element_type3A_143, %cond3A_144 : i32
      scf.if %cond3A_145 {
        %dma_start3A_217 = arith.constant 0 : i32
        %dma_start3A_218 = arith.constant 0 : i32
        %dma_start3A_219 = tpu.memref_slice %arg9[%dma_start3A_217, %dma_start3A_218] : memref<512x64xf32, #tpu.memory_space<vmem>> -> memref<256x64xf32, #tpu.memory_space<vmem>>
        %dma_start3A_220 = arith.constant 0 : i32
        %dma_start3A_221 = arith.constant 0 : i32
        %dma_start3A_222 = tpu.memref_slice %dma_start3A_219[%dma_start3A_220, %dma_start3A_221] : memref<256x64xf32, #tpu.memory_space<vmem>> -> memref<128x64xf32, #tpu.memory_space<vmem>>
        %dma_start3A_223 = arith.constant 0 : i32
        %dma_start3A_224 = tpu.memref_slice %arg8[%dma_start3A_223] : memref<512xi32, #tpu.memory_space<vmem>> -> memref<256xi32, #tpu.memory_space<vmem>>
        %dma_start3A_225 = arith.constant 0 : i32
        %dma_start3A_226 = tpu.memref_slice %dma_start3A_224[%dma_start3A_225] : memref<256xi32, #tpu.memory_space<vmem>> -> memref<128xi32, #tpu.memory_space<vmem>>
        %dma_start3A_227 = arith.constant 0 : i32
        %dma_start3A_228 = arith.constant 0 : i32
        %dma_start3A_229 = tpu.memref_slice %arg3[%dma_start3A_227, %dma_start3A_228] : memref<1000000x64xf32, #tpu.memory_space<hbm>> -> memref<1000000x64xf32, #tpu.memory_space<hbm>>
        tpu.enqueue_indirect_dma source(%dma_start3A_229 : memref<1000000x64xf32, #tpu.memory_space<hbm>>) target(%dma_start3A_222 : memref<128x64xf32, #tpu.memory_space<vmem>>) offsets(%dma_start3A_226 : memref<128xi32, #tpu.memory_space<vmem>>) semaphore(%arg10 : memref<!tpu.dma_semaphore, #tpu.memory_space<semaphore_mem>>)
        %dma_start3A_230 = arith.constant 0 : i32
        %dma_start3A_231 = arith.constant 0 : i32
        %dma_start3A_232 = tpu.memref_slice %arg9[%dma_start3A_230, %dma_start3A_231] : memref<512x64xf32, #tpu.memory_space<vmem>> -> memref<256x64xf32, #tpu.memory_space<vmem>>
        %dma_start3A_233 = arith.constant 128 : i32
        %dma_start3A_234 = arith.constant 0 : i32
        %dma_start3A_235 = tpu.memref_slice %dma_start3A_232[%dma_start3A_233, %dma_start3A_234] : memref<256x64xf32, #tpu.memory_space<vmem>> -> memref<128x64xf32, #tpu.memory_space<vmem>>
        %dma_start3A_236 = arith.constant 0 : i32
        %dma_start3A_237 = tpu.memref_slice %arg8[%dma_start3A_236] : memref<512xi32, #tpu.memory_space<vmem>> -> memref<256xi32, #tpu.memory_space<vmem>>
        %dma_start3A_238 = arith.constant 128 : i32
        %dma_start3A_239 = tpu.memref_slice %dma_start3A_237[%dma_start3A_238] : memref<256xi32, #tpu.memory_space<vmem>> -> memref<128xi32, #tpu.memory_space<vmem>>
        %dma_start3A_240 = arith.constant 0 : i32
        %dma_start3A_241 = arith.constant 0 : i32
        %dma_start3A_242 = tpu.memref_slice %arg3[%dma_start3A_240, %dma_start3A_241] : memref<1000000x64xf32, #tpu.memory_space<hbm>> -> memref<1000000x64xf32, #tpu.memory_space<hbm>>
        tpu.enqueue_indirect_dma source(%dma_start3A_242 : memref<1000000x64xf32, #tpu.memory_space<hbm>>) target(%dma_start3A_235 : memref<128x64xf32, #tpu.memory_space<vmem>>) offsets(%dma_start3A_239 : memref<128xi32, #tpu.memory_space<vmem>>) semaphore(%arg10 : memref<!tpu.dma_semaphore, #tpu.memory_space<semaphore_mem>>)
      } else {
      }
      %mul3A_146 = arith.constant 2 : i32
      %mul3A_147 = arith.muli %scan3A_78, %mul3A_146 : i32
      %add3A_148 = arith.constant 1 : i32
      %add3A_149 = arith.addi %mul3A_147, %add3A_148 : i32
      %dma_wait3A_150 = arith.constant 256 : i32
      %dma_wait3A_151 = arith.constant 0 : i32
      %dma_wait3A_152 = tpu.memref_slice %arg9[%dma_wait3A_150, %dma_wait3A_151] : memref<512x64xf32, #tpu.memory_space<vmem>> -> memref<256x64xf32, #tpu.memory_space<vmem>>
      %dma_wait3A_153 = arith.constant 0 : i32
      %dma_wait3A_154 = arith.constant 0 : i32
      %dma_wait3A_155 = tpu.memref_slice %dma_wait3A_152[%dma_wait3A_153, %dma_wait3A_154] : memref<256x64xf32, #tpu.memory_space<vmem>> -> memref<128x64xf32, #tpu.memory_space<vmem>>
      %dma_wait3A_156 = arith.constant 256 : i32
      %dma_wait3A_157 = tpu.memref_slice %arg8[%dma_wait3A_156] : memref<512xi32, #tpu.memory_space<vmem>> -> memref<256xi32, #tpu.memory_space<vmem>>
      %dma_wait3A_158 = arith.constant 0 : i32
      %dma_wait3A_159 = tpu.memref_slice %dma_wait3A_157[%dma_wait3A_158] : memref<256xi32, #tpu.memory_space<vmem>> -> memref<128xi32, #tpu.memory_space<vmem>>
      %dma_wait3A_160 = arith.constant 0 : i32
      %dma_wait3A_161 = arith.constant 0 : i32
      %dma_wait3A_162 = tpu.memref_slice %arg3[%dma_wait3A_160, %dma_wait3A_161] : memref<1000000x64xf32, #tpu.memory_space<hbm>> -> memref<1000000x64xf32, #tpu.memory_space<hbm>>
      tpu.wait_indirect_dma semaphore(%arg11 : memref<!tpu.dma_semaphore, #tpu.memory_space<semaphore_mem>>) src(%dma_wait3A_162 : memref<1000000x64xf32, #tpu.memory_space<hbm>>) dst(%dma_wait3A_155 : memref<128x64xf32, #tpu.memory_space<vmem>>)
      %dma_wait3A_163 = arith.constant 256 : i32
      %dma_wait3A_164 = arith.constant 0 : i32
      %dma_wait3A_165 = tpu.memref_slice %arg9[%dma_wait3A_163, %dma_wait3A_164] : memref<512x64xf32, #tpu.memory_space<vmem>> -> memref<256x64xf32, #tpu.memory_space<vmem>>
      %dma_wait3A_166 = arith.constant 128 : i32
      %dma_wait3A_167 = arith.constant 0 : i32
      %dma_wait3A_168 = tpu.memref_slice %dma_wait3A_165[%dma_wait3A_166, %dma_wait3A_167] : memref<256x64xf32, #tpu.memory_space<vmem>> -> memref<128x64xf32, #tpu.memory_space<vmem>>
      %dma_wait3A_169 = arith.constant 256 : i32
      %dma_wait3A_170 = tpu.memref_slice %arg8[%dma_wait3A_169] : memref<512xi32, #tpu.memory_space<vmem>> -> memref<256xi32, #tpu.memory_space<vmem>>
      %dma_wait3A_171 = arith.constant 128 : i32
      %dma_wait3A_172 = tpu.memref_slice %dma_wait3A_170[%dma_wait3A_171] : memref<256xi32, #tpu.memory_space<vmem>> -> memref<128xi32, #tpu.memory_space<vmem>>
      %dma_wait3A_173 = arith.constant 0 : i32
      %dma_wait3A_174 = arith.constant 0 : i32
      %dma_wait3A_175 = tpu.memref_slice %arg3[%dma_wait3A_173, %dma_wait3A_174] : memref<1000000x64xf32, #tpu.memory_space<hbm>> -> memref<1000000x64xf32, #tpu.memory_space<hbm>>
      tpu.wait_indirect_dma semaphore(%arg11 : memref<!tpu.dma_semaphore, #tpu.memory_space<semaphore_mem>>) src(%dma_wait3A_175 : memref<1000000x64xf32, #tpu.memory_space<hbm>>) dst(%dma_wait3A_168 : memref<128x64xf32, #tpu.memory_space<vmem>>)
      %scan3A_176 = arith.constant 0 : i32
      %scan3A_177 = arith.constant 0 : i32
      %scan3A_178 = arith.constant 16 : i32
      %scan3A_179 = arith.addi %scan3A_177, %scan3A_178 : i32
      %scan3A_180 = arith.constant 1 : i32
      %scan3A_181 = scf.for %scan3A_217 = %scan3A_177 to %scan3A_179 step %scan3A_180 iter_args(%scan3A_218 = %scan3A_176) -> (i32)  : i32 {
        %mul3A_219 = arith.constant 16 : i32
        %mul3A_220 = arith.muli %scan3A_217, %mul3A_219 : i32
        %add3A_221 = arith.constant 256 : i32
        %add3A_222 = arith.addi %add3A_221, %mul3A_220 : i32
        %get3A = arith.index_cast %add3A_222 : i32 to index
        %get3A_223 = tpu.vector_load %arg7[%get3A] {strides = array<i32>} : memref<512xi32, #tpu.memory_space<vmem>>, vector<16xi32>,
        %ge3A = arith.constant 1000000 : i32
        %ge3A_224 = vector.broadcast %ge3A : i32 to vector<16xi32>
        %ge3A_225 = arith.cmpi sge, %get3A_223, %ge3A_224 : vector<16xi32>
        %all_reduce_population_count3A = tpu.all_reduce %ge3A_225 {dim = 0 : i64, kind = #tpu.reduction_kind<sum>} : vector<16xi1> -> vector<16xi32>
        %slice3A = vector.extract_strided_slice %all_reduce_population_count3A {offsets = [0], sizes = [1], strides = [1]} : vector<16xi32> to vector<1xi32>
        %squeeze3A = vector.extract %slice3A[0] : i32 from vector<1xi32>
        %gt3A = arith.constant 0 : i32
        %gt3A_226 = arith.cmpi sgt, %squeeze3A, %gt3A : i32
        %convert_element_type3A_227 = arith.extui %gt3A_226 : i1 to i32
        %cond3A_228 = arith.constant 0 : i32
        %cond3A_229 = arith.cmpi ne, %convert_element_type3A_227, %cond3A_228 : i32
        scf.if %cond3A_229 {
          %sub3A = arith.constant 1000000 : i32
          %sub3A_231 = vector.broadcast %sub3A : i32 to vector<16xi32>
          %sub3A_232 = arith.subi %get3A_223, %sub3A_231 : vector<16xi32>
          %max3A = arith.constant 0 : i32
          %max3A_233 = vector.broadcast %max3A : i32 to vector<16xi32>
          %max3A_234 = arith.maxsi %sub3A_232, %max3A_233 : vector<16xi32>
          %mul3A_235 = arith.constant 16 : i32
          %mul3A_236 = arith.muli %scan3A_217, %mul3A_235 : i32
          %add3A_237 = arith.constant 256 : i32
          %add3A_238 = arith.addi %add3A_237, %mul3A_236 : i32
          %add3A_239 = vector.broadcast %add3A_238 : i32 to vector<16xi32>
          %add3A_240 = arith.addi %iota3A, %add3A_239 : vector<16xi32>
          %scan3A_241 = arith.constant 0 : i32
          %scan3A_242 = arith.constant 0 : i32
          %scan3A_243 = arith.constant 64 : i32
          %scan3A_244 = arith.addi %scan3A_242, %scan3A_243 : i32
          %scan3A_245 = arith.constant 1 : i32
          %scan3A_246 = scf.for %scan3A_248 = %scan3A_242 to %scan3A_244 step %scan3A_245 iter_args(%scan3A_249 = %scan3A_241) -> (i32)  : i32 {
            %broadcast_in_dim3A = vector.broadcast %scan3A_248 : i32 to vector<16xi32>
            %gather3A = tpu.vector_load_idx %arg6[%max3A_234, %broadcast_in_dim3A] masked %ge3A_225 : memref<1000x64xf32, #tpu.memory_space<vmem>>[vector<16xi32>, vector<16xi32>], vector<16xf32>, vector<16xi1>
            tpu.vector_store_idx %arg9[%add3A_240, %broadcast_in_dim3A], %gather3A masked %ge3A_225 : memref<512x64xf32, #tpu.memory_space<vmem>>[vector<16xi32>, vector<16xi32>], vector<16xf32>, vector<16xi1>
            %scan3A_250 = arith.constant 0 : i32
            scf.yield %scan3A_250 : i32
          }
          %scan3A_247 = arith.constant 64 : i32
        } else {
        }
        %scan3A_230 = arith.constant 0 : i32
        scf.yield %scan3A_230 : i32
      }
      %scan3A_182 = arith.constant 16 : i32
      %mul3A_183 = arith.constant 256 : i32
      %mul3A_184 = arith.muli %add3A_149, %mul3A_183 : i32
      %add3A_185 = arith.addi %mul3A_2, %mul3A_184 : i32
      %dma_start3A_186 = arith.constant 256 : i32
      %dma_start3A_187 = arith.constant 0 : i32
      %dma_start3A_188 = tpu.memref_slice %arg9[%dma_start3A_186, %dma_start3A_187] : memref<512x64xf32, #tpu.memory_space<vmem>> -> memref<256x64xf32, #tpu.memory_space<vmem>>
      %dma_start3A_189 = arith.constant 0 : i32
      %dma_start3A_190 = tpu.memref_slice %arg5[%add3A_185, %dma_start3A_189] : memref<3276800x64xf32, #tpu.memory_space<hbm>> -> memref<256x64xf32, #tpu.memory_space<hbm>>
      %dma_start3A_191 = arith.constant 0 : i32
      %dma_start3A_192 = tpu.memref_slice %arg5[%add3A_185, %dma_start3A_191] : memref<3276800x64xf32, #tpu.memory_space<hbm>> -> memref<256x64xf32, #tpu.memory_space<hbm>>
      %dma_start3A_193 = arith.constant 256 : i32
      %dma_start3A_194 = arith.constant 0 : i32
      %dma_start3A_195 = tpu.memref_slice %arg9[%dma_start3A_193, %dma_start3A_194] : memref<512x64xf32, #tpu.memory_space<vmem>> -> memref<256x64xf32, #tpu.memory_space<vmem>>
      tpu.enqueue_dma source(%dma_start3A_195 : memref<256x64xf32, #tpu.memory_space<vmem>>) target(%dma_start3A_192 : memref<256x64xf32, #tpu.memory_space<hbm>>) target_semaphore(%arg13 : memref<!tpu.dma_semaphore, #tpu.memory_space<semaphore_mem>>)
      %lt3A_196 = arith.constant 199 : i32
      %lt3A_197 = arith.cmpi slt, %scan3A_78, %lt3A_196 : i32
      %convert_element_type3A_198 = arith.extui %lt3A_197 : i1 to i32
      %cond3A_199 = arith.constant 0 : i32
      %cond3A_200 = arith.cmpi ne, %convert_element_type3A_198, %cond3A_199 : i32
      scf.if %cond3A_200 {
        %add3A_217 = arith.constant 2 : i32
        %add3A_218 = arith.addi %add3A_149, %add3A_217 : i32
        %mul3A_219 = arith.constant 256 : i32
        %mul3A_220 = arith.muli %add3A_218, %mul3A_219 : i32
        %add3A_221 = arith.addi %mul3A_2, %mul3A_220 : i32
        "tpu.region"() ({
          %run_scoped3A = tpu.sem_alloc : memref<!tpu.dma_semaphore, #tpu.memory_space<semaphore_mem>>
          %dma_start3A_229 = arith.constant 256 : i32
          %dma_start3A_230 = tpu.memref_slice %arg7[%dma_start3A_229] : memref<512xi32, #tpu.memory_space<vmem>> -> memref<256xi32, #tpu.memory_space<vmem>>
          %dma_start3A_231 = tpu.memref_slice %arg2[%add3A_221] : memref<3276800xi32, #tpu.memory_space<hbm>> -> memref<256xi32, #tpu.memory_space<hbm>>
          %dma_start3A_232 = arith.constant 256 : i32
          %dma_start3A_233 = tpu.memref_slice %arg7[%dma_start3A_232] : memref<512xi32, #tpu.memory_space<vmem>> -> memref<256xi32, #tpu.memory_space<vmem>>
          %dma_start3A_234 = tpu.memref_slice %arg2[%add3A_221] : memref<3276800xi32, #tpu.memory_space<hbm>> -> memref<256xi32, #tpu.memory_space<hbm>>
          tpu.enqueue_dma source(%dma_start3A_234 : memref<256xi32, #tpu.memory_space<hbm>>) target(%dma_start3A_233 : memref<256xi32, #tpu.memory_space<vmem>>) target_semaphore(%run_scoped3A : memref<!tpu.dma_semaphore, #tpu.memory_space<semaphore_mem>>)
          %dma_wait3A_235 = arith.constant 256 : i32
          %dma_wait3A_236 = tpu.memref_slice %arg7[%dma_wait3A_235] : memref<512xi32, #tpu.memory_space<vmem>> -> memref<256xi32, #tpu.memory_space<vmem>>
          %dma_wait3A_237 = tpu.memref_slice %arg2[%add3A_221] : memref<3276800xi32, #tpu.memory_space<hbm>> -> memref<256xi32, #tpu.memory_space<hbm>>
          %dma_wait3A_238 = arith.constant 256 : i32
          %dma_wait3A_239 = tpu.memref_slice %arg7[%dma_wait3A_238] : memref<512xi32, #tpu.memory_space<vmem>> -> memref<256xi32, #tpu.memory_space<vmem>>
          %dma_wait3A_240 = tpu.memref_slice %arg2[%add3A_221] : memref<3276800xi32, #tpu.memory_space<hbm>> -> memref<256xi32, #tpu.memory_space<hbm>>
          tpu.wait_dma2 semaphore(%run_scoped3A : memref<!tpu.dma_semaphore, #tpu.memory_space<semaphore_mem>>) src(%dma_wait3A_240 : memref<256xi32, #tpu.memory_space<hbm>>) dst(%dma_wait3A_239 : memref<256xi32, #tpu.memory_space<vmem>>)
          tpu.yield
        }) : () -> ()
        %scan3A_222 = arith.constant 0 : i32
        %scan3A_223 = arith.constant 0 : i32
        %scan3A_224 = arith.constant 16 : i32
        %scan3A_225 = arith.addi %scan3A_223, %scan3A_224 : i32
        %scan3A_226 = arith.constant 1 : i32
        %scan3A_227 = scf.for %scan3A_229 = %scan3A_223 to %scan3A_225 step %scan3A_226 iter_args(%scan3A_230 = %scan3A_222) -> (i32)  : i32 {
          %mul3A_231 = arith.constant 16 : i32
          %mul3A_232 = arith.muli %scan3A_229, %mul3A_231 : i32
          %add3A_233 = arith.constant 256 : i32
          %add3A_234 = arith.addi %add3A_233, %mul3A_232 : i32
          %get3A = arith.index_cast %add3A_234 : i32 to index
          %get3A_235 = tpu.vector_load %arg7[%get3A] {strides = array<i32>} : memref<512xi32, #tpu.memory_space<vmem>>, vector<16xi32>,
          %min3A = arith.constant 999999 : i32
          %min3A_236 = vector.broadcast %min3A : i32 to vector<16xi32>
          %min3A_237 = arith.minsi %get3A_235, %min3A_236 : vector<16xi32>
          %mul3A_238 = arith.constant 16 : i32
          %mul3A_239 = arith.muli %scan3A_229, %mul3A_238 : i32
          %add3A_240 = arith.constant 256 : i32
          %add3A_241 = arith.addi %add3A_240, %mul3A_239 : i32
          %swap3A = arith.index_cast %add3A_241 : i32 to index
          %swap3A_242 = tpu.vector_load %arg8[%swap3A] {strides = array<i32>} : memref<512xi32, #tpu.memory_space<vmem>>, vector<16xi32>,
          tpu.vector_store %arg8[%swap3A], %min3A_237 {strides = array<i32>} : memref<512xi32, #tpu.memory_space<vmem>>, vector<16xi32>,
          %scan3A_243 = arith.constant 0 : i32
          scf.yield %scan3A_243 : i32
        }
        %scan3A_228 = arith.constant 16 : i32
      } else {
      }
      %dma_wait3A_201 = arith.constant 256 : i32
      %dma_wait3A_202 = arith.constant 0 : i32
      %dma_wait3A_203 = tpu.memref_slice %arg9[%dma_wait3A_201, %dma_wait3A_202] : memref<512x64xf32, #tpu.memory_space<vmem>> -> memref<256x64xf32, #tpu.memory_space<vmem>>
      %dma_wait3A_204 = arith.constant 0 : i32
      %dma_wait3A_205 = tpu.memref_slice %arg5[%add3A_185, %dma_wait3A_204] : memref<3276800x64xf32, #tpu.memory_space<hbm>> -> memref<256x64xf32, #tpu.memory_space<hbm>>
      %dma_wait3A_206 = arith.constant 0 : i32
      %dma_wait3A_207 = tpu.memref_slice %arg5[%add3A_185, %dma_wait3A_206] : memref<3276800x64xf32, #tpu.memory_space<hbm>> -> memref<256x64xf32, #tpu.memory_space<hbm>>
      %dma_wait3A_208 = arith.constant 256 : i32
      %dma_wait3A_209 = arith.constant 0 : i32
      %dma_wait3A_210 = tpu.memref_slice %arg9[%dma_wait3A_208, %dma_wait3A_209] : memref<512x64xf32, #tpu.memory_space<vmem>> -> memref<256x64xf32, #tpu.memory_space<vmem>>
      tpu.wait_dma2 semaphore(%arg13 : memref<!tpu.dma_semaphore, #tpu.memory_space<semaphore_mem>>) src(%dma_wait3A_210 : memref<256x64xf32, #tpu.memory_space<vmem>>) dst(%dma_wait3A_207 : memref<256x64xf32, #tpu.memory_space<hbm>>)
      %lt3A_211 = arith.constant 199 : i32
      %lt3A_212 = arith.cmpi slt, %scan3A_78, %lt3A_211 : i32
      %convert_element_type3A_213 = arith.extui %lt3A_212 : i1 to i32
      %cond3A_214 = arith.constant 0 : i32
      %cond3A_215 = arith.cmpi ne, %convert_element_type3A_213, %cond3A_214 : i32
      scf.if %cond3A_215 {
        %dma_start3A_217 = arith.constant 256 : i32
        %dma_start3A_218 = arith.constant 0 : i32
        %dma_start3A_219 = tpu.memref_slice %arg9[%dma_start3A_217, %dma_start3A_218] : memref<512x64xf32, #tpu.memory_space<vmem>> -> memref<256x64xf32, #tpu.memory_space<vmem>>
        %dma_start3A_220 = arith.constant 0 : i32
        %dma_start3A_221 = arith.constant 0 : i32
        %dma_start3A_222 = tpu.memref_slice %dma_start3A_219[%dma_start3A_220, %dma_start3A_221] : memref<256x64xf32, #tpu.memory_space<vmem>> -> memref<128x64xf32, #tpu.memory_space<vmem>>
        %dma_start3A_223 = arith.constant 256 : i32
        %dma_start3A_224 = tpu.memref_slice %arg8[%dma_start3A_223] : memref<512xi32, #tpu.memory_space<vmem>> -> memref<256xi32, #tpu.memory_space<vmem>>
        %dma_start3A_225 = arith.constant 0 : i32
        %dma_start3A_226 = tpu.memref_slice %dma_start3A_224[%dma_start3A_225] : memref<256xi32, #tpu.memory_space<vmem>> -> memref<128xi32, #tpu.memory_space<vmem>>
        %dma_start3A_227 = arith.constant 0 : i32
        %dma_start3A_228 = arith.constant 0 : i32
        %dma_start3A_229 = tpu.memref_slice %arg3[%dma_start3A_227, %dma_start3A_228] : memref<1000000x64xf32, #tpu.memory_space<hbm>> -> memref<1000000x64xf32, #tpu.memory_space<hbm>>
        tpu.enqueue_indirect_dma source(%dma_start3A_229 : memref<1000000x64xf32, #tpu.memory_space<hbm>>) target(%dma_start3A_222 : memref<128x64xf32, #tpu.memory_space<vmem>>) offsets(%dma_start3A_226 : memref<128xi32, #tpu.memory_space<vmem>>) semaphore(%arg11 : memref<!tpu.dma_semaphore, #tpu.memory_space<semaphore_mem>>)
        %dma_start3A_230 = arith.constant 256 : i32
        %dma_start3A_231 = arith.constant 0 : i32
        %dma_start3A_232 = tpu.memref_slice %arg9[%dma_start3A_230, %dma_start3A_231] : memref<512x64xf32, #tpu.memory_space<vmem>> -> memref<256x64xf32, #tpu.memory_space<vmem>>
        %dma_start3A_233 = arith.constant 128 : i32
        %dma_start3A_234 = arith.constant 0 : i32
        %dma_start3A_235 = tpu.memref_slice %dma_start3A_232[%dma_start3A_233, %dma_start3A_234] : memref<256x64xf32, #tpu.memory_space<vmem>> -> memref<128x64xf32, #tpu.memory_space<vmem>>
        %dma_start3A_236 = arith.constant 256 : i32
        %dma_start3A_237 = tpu.memref_slice %arg8[%dma_start3A_236] : memref<512xi32, #tpu.memory_space<vmem>> -> memref<256xi32, #tpu.memory_space<vmem>>
        %dma_start3A_238 = arith.constant 128 : i32
        %dma_start3A_239 = tpu.memref_slice %dma_start3A_237[%dma_start3A_238] : memref<256xi32, #tpu.memory_space<vmem>> -> memref<128xi32, #tpu.memory_space<vmem>>
        %dma_start3A_240 = arith.constant 0 : i32
        %dma_start3A_241 = arith.constant 0 : i32
        %dma_start3A_242 = tpu.memref_slice %arg3[%dma_start3A_240, %dma_start3A_241] : memref<1000000x64xf32, #tpu.memory_space<hbm>> -> memref<1000000x64xf32, #tpu.memory_space<hbm>>
        tpu.enqueue_indirect_dma source(%dma_start3A_242 : memref<1000000x64xf32, #tpu.memory_space<hbm>>) target(%dma_start3A_235 : memref<128x64xf32, #tpu.memory_space<vmem>>) offsets(%dma_start3A_239 : memref<128xi32, #tpu.memory_space<vmem>>) semaphore(%arg11 : memref<!tpu.dma_semaphore, #tpu.memory_space<semaphore_mem>>)
      } else {
      }
      %scan3A_216 = arith.constant 0 : i32
      scf.yield %scan3A_216 : i32
    }
    %scan3A_77 = arith.constant 200 : i32
    return
  }
}

</mosaic_0001>

<sc_bundles>
// kernel: kernel.3.cloned.1.call-start
scs
__scs_entry_jumppad:
0x0: {  	(pc) =	sbr.rel $0x88, $3  }
0x1: {  	(tag) =	ssettag $0x0;
	lr =	simm.s32 $0x1  }
0x2: {  	[smem:$0x3F9E] =	sst lr;
	_ =	strace $0xD0000000  }
0x3: {  	_ = 	snop  }
0x4: {  	_ = 	snop  }
0x5: {  	_ = 	snop  }
0x6: {  	_ = 	snop  }
0x7: {  	_ = 	snop  }
__scs_overlays_trampoline_lowered:
0x8: {  	[smem:$0x3FAD] =	sst s0  }
0x9: {  	[smem:$0x3FAE] =	sst s1  }
0xa: {  	[smem:$0x3FAF] =	sst s2  }
0xb: {  	[smem:$0x3FB0] =	sst s3  }
0xc: {  	[smem:$0x3FB1] =	sst s4  }
0xd: {  	[smem:$0x3FB2] =	sst s5  }
0xe: {  	[smem:$0x3FB3] =	sst s6  }
0xf: {  	[smem:$0x3FB4] =	sst s7  }
0x10: {  	[smem:$0x3FB5] =	sst s8  }
0x11: {  	[smem:$0x3FB6] =	sst s9;
	s0 =	simm.s32 @!p0 $0x0  }
0x12: {  	s1 =	sld [smem:$0x3F9C];
	s0 =	simm.s32 @p0 $0x1  }
0x13: {  	[smem:$0x3FB7] =	sst s0;
	s0 =	simm.s32 @!p1 $0x0  }
0x14: {  	s2 =	sld [smem:$0x3F9B];
	s0 =	simm.s32 @p1 $0x1  }
0x15: {  	[smem:$0x3FB8] =	sst s0;
	s0 =	simm.s32 @!p2 $0x0  }
0x16: {  	s3 =	sld [smem:$0x3FDB];
	s0 =	simm.s32 @p2 $0x1  }
0x17: {  	s4 =	simm.s32 $0x1BF5;
	[smem:$0x3FBA] =	sst s0  }
0x18: {  	s0 =	sld [smem:$0x3F9D];
	_ =	swait.ge [sflag:s4], $0x0  }
0x19: {  	s7 =	sld [smem:$0x3F9E]  }
0x1a: {  	s8 =	sadd.s32 $0xFFFFE003, lr  }
0x1b: {  	s9 =	sadd.s32 $0xFFFFFEF7, lr;
	s5 =	simm.s32 $0xFFFFFFFF;
	p2 =	slt.u32 s8, $0xFFFFF086  }
0x1c: {  	p1 =	slt.u32 s9, $0xF7A;
	s5 =	simm.s32 @!p2 $0x0  }
0x1d: {  	s5 =	simm.s32 @p1 $0x1;
	p0 =	seq.s32 s7, s2  }
0x1e: {  	s7 =	smul.u32 @!p0 $0xF7A, s2;
	p2 =	seq.s32 @!p0 s5, $0x0  }
0x1f: {  	s9 =	smul.u32 $0xF7A, s1;
	s8 =	simm.s32 @!p0 $0x1BF5;
	p2 =	por !p2, p0  }
0x20: {  	[sflag:s8] =	ssyncset.s32 @!p0 $0xFFFFF086;
	s6 =	sadd.s32 @!p0 s3, s7;
	s7 =	simm.s32 @!p0 $0x108  }
0x21: {  	s3 =	sadd.s32 s3, s9;
	s6 =	sadd.s32 @!p0 $0x88, s6;
	s7 =	simm.s32 @p2 $0x1082  }
0x22: {  	[simem:s7], [sflag:s8] =	dma.local @!p0 [hbm:s6], $0xF7A  }
0x23: {  	s9 =	sor.u32 $0xD0000000, s2;
	s6 =	simm.s32 $0x108;
	_ =	swait.ge @!p0 [sflag:s8], $0x0  }
0x24: {  	s3 =	sadd.s32 $0x88, s3;
	s6 =	simm.s32 @!p1 $0x1082;
	[sflag:s4] =	ssyncset.s32 $0xFFFFF086  }
0x25: {  	[simem:s6], [sflag:s4] =	dma.local [hbm:s3], $0xF7A  }
0x26: {  	[smem:$0x3F9E] =	sst s1;
	(tag) =	ssettag s2;
	_ =	strace s9  }
0x27: {  	s1 =	sld [smem:$0x3FAE]  }
0x28: {  	s2 =	sld [smem:$0x3FAF]  }
0x29: {  	s4 =	sld [smem:$0x3FB1]  }
0x2a: {  	p0 =	seq.s32 s5, $0x0;
	s5 =	sld [smem:$0x3FB2]  }
0x2b: {  	s6 =	sld [smem:$0x3FB3]  }
0x2c: {  	s7 =	sld [smem:$0x3FB4]  }
0x2d: {  	s3 =	simm.s32 $0x108;
	s8 =	sld [smem:$0x3FB5]  }
0x2e: {  	s3 =	simm.s32 @!p0 $0x1082;
	s9 =	sld [smem:$0x3FB6]  }
0x2f: {  	lr =	sadd.s32 s0, s3;
	s0 =	sld [smem:$0x3FAD]  }
0x30: {  	s3 =	sld [smem:$0x3FB0]  }
0x31: {  	[smem:$0x3FB9] =	sst s10  }
0x32: {  	s10 =	sld [smem:$0x3FB7];
	_ =	sdelay $0x3  }
0x33: {  	p0 =	seq.s32 s10, $0x1;
	s10 =	sld [smem:$0x3FB9];
	_ =	sdelay $0x3  }
0x34: {  	[smem:$0x3FB9] =	sst s10  }
0x35: {  	s10 =	sld [smem:$0x3FB8];
	_ =	sdelay $0x3  }
0x36: {  	p1 =	seq.s32 s10, $0x1;
	s10 =	sld [smem:$0x3FB9];
	_ =	sdelay $0x3  }
0x37: {  	[smem:$0x3FB9] =	sst s10  }
0x38: {  	s10 =	sld [smem:$0x3FBA]  }
0x39: {  	_ = 	snop;
	(pc) =	sbr.ind lr, $3  }
0x3a: {  	_ = 	snop  }
0x3b: {  	_ = 	snop  }
0x3c: {  	p2 =	seq.s32 s10, $0x1;
	s10 =	sld [smem:$0x3FB9]  }
0x3d: {  	_ =	shalt  }
0x3e: {  	_ =	shalt  }
0x3f: {  	_ =	shalt  }
0x40: {  	_ =	shalt  }
0x41: {  	_ =	shalt  }
0x42: {  	_ =	shalt  }
0x43: {  	_ =	shalt  }
0x44: {  	_ =	shalt  }
0x45: {  	_ =	shalt  }
0x46: {  	_ =	shalt  }
0x47: {  	_ =	shalt  }
0x48: {  	_ =	shalt  }
0x49: {  	_ =	shalt  }
0x4a: {  	_ =	shalt  }
0x4b: {  	_ =	shalt  }
0x4c: {  	_ =	shalt  }
0x4d: {  	_ =	shalt  }
0x4e: {  	_ =	shalt  }
0x4f: {  	_ =	shalt  }
0x50: {  	_ =	shalt  }
0x51: {  	_ =	shalt  }
0x52: {  	_ =	shalt  }
0x53: {  	_ =	shalt  }
0x54: {  	_ =	shalt  }
0x55: {  	_ =	shalt  }
0x56: {  	_ =	shalt  }
0x57: {  	_ =	shalt  }
0x58: {  	_ =	shalt  }
0x59: {  	_ =	shalt  }
0x5a: {  	_ =	shalt  }
0x5b: {  	_ =	shalt  }
0x5c: {  	_ =	shalt  }
0x5d: {  	_ =	shalt  }
0x5e: {  	_ =	shalt  }
0x5f: {  	_ =	shalt  }
0x60: {  	_ =	shalt  }
0x61: {  	_ =	shalt  }
0x62: {  	_ =	shalt  }
0x63: {  	_ =	shalt  }
0x64: {  	_ =	shalt  }
0x65: {  	_ =	shalt  }
0x66: {  	_ =	shalt  }
0x67: {  	_ =	shalt  }
0x68: {  	_ =	shalt  }
0x69: {  	_ =	shalt  }
0x6a: {  	_ =	shalt  }
0x6b: {  	_ =	shalt  }
0x6c: {  	_ =	shalt  }
0x6d: {  	_ =	shalt  }
0x6e: {  	_ =	shalt  }
0x6f: {  	_ =	shalt  }
0x70: {  	_ =	shalt  }
0x71: {  	_ =	shalt  }
0x72: {  	_ =	shalt  }
0x73: {  	_ =	shalt  }
0x74: {  	_ =	shalt  }
0x75: {  	_ =	shalt  }
0x76: {  	_ =	shalt  }
0x77: {  	_ =	shalt  }
0x78: {  	_ =	shalt  }
0x79: {  	_ =	shalt  }
0x7a: {  	_ =	shalt  }
0x7b: {  	_ =	shalt  }
0x7c: {  	_ =	shalt  }
0x7d: {  	_ =	shalt  }
0x7e: {  	_ =	shalt  }
0x7f: {  	_ =	shalt  }
0x80: {  	_ =	shalt  }
0x81: {  	_ =	shalt  }
0x82: {  	_ =	shalt  }
0x83: {  	_ =	shalt  }
0x84: {  	_ =	shalt  }
0x85: {  	_ =	shalt  }
0x86: {  	_ =	shalt  }
0x87: {  	_ =	shalt  }
.Lfunc_end0:
.L_simem_size_0:
called_computation.1_lowered:
.L_overlay_start_0:
0x88: {  	s2 =	sld [smem:$0x3FD9]  }
0x89: {  	s3 =	sld [smem:$0x3FFE];
	_ =	sdelay $0x1  }
0x8a: {  	s1 =	srdreg.scid  }
0x8b: {  	s0 =	sand.u32 $0x1, s1  }
0x8c: {  	s17 =	sshll.u32 s0, $0xA;
	s2 =	sadd.s32 s3, s2  }
0x8d: {  	s2 =	sadd.s32 s2, s17  }
0x8e: {  	[smem:$0x3FC5] =	sst s2  }
0x8f: {  	_ = 	snop  }
0x90: {  	s2 =	sld [smem:$0x3FD0];
	(tm) =	ssettm $0x1  }
0x91: {  	s18 =	sld [smem:$0x3FFB];
	_ =	sdelay $0x3  }
0x92: {  	_ =	strace s18  }
0x93: {  	s3 =	sld [smem:$0x3FFC];
	_ =	sdelay $0x3  }
0x94: {  	_ =	strace s3  }
0x95: {  	s3 =	sld [smem:$0x3FFD];
	_ =	sdelay $0x3  }
0x96: {  	_ =	strace s3  }
0x97: {  	_ =	strace $0x8FFFFFFF  }
0x98: {  	s19 =	sld [smem:$0x3FDB];
	_ =	sdelay $0x1  }
0x99: {  	s4 =	simm.s32 $_scs_section_size  }
0x9a: {  	s5 =	simm.s32 $_size__tile_overlayer_lowered;
	s6 =	simm.s32 $_tile_overlayer_lowered  }
0x9b: {  	s22 =	simm.s32 $0x1BFF;
	s21 =	sshll.u32 s6, $0x1;
	s3 =	sadd.s32 s4, s19  }
0x9c: {  	s7 =	simm.s32 $0x0;
	s20 =	sshll.u32 s5, $0x1;
	s5 =	sadd.s32 s21, s3  }
0x9d: {  	[timem:s7], [sflag:s22] =	dma.local [hbm:s5], s20  }
0x9e: {  	_ =	swait.ge [sflag:s22], s20  }
0x9f: {  	s4 =	ssub.s32 $0x0, s20;
	[sflag:s22] =	ssyncset.done $0x0  }
0xa0: {  	[sflag:s22] =	ssyncadd.s32 s4;
	_ =	sdelay $0x1  }
0xa1: {  	s23 =	simm.s32 $0x1B8B  }
0xa2: {  	_ =	swait.ge [sflag:s23], $0x1  }
0xa3: {  	[sflag:s23] =	ssyncset.done $0x0  }
0xa4: {  	s25 =	simm.s32 $0x1B8E;
	s24 =	sld [smem:$0x3FFE];
	[sflag:s23] =	ssyncadd.s32 $0xFFFFFFFF  }
0xa5: {  	s26 =	simm.s32 $execute0_lowered;
	[smem:$0x3FD2] =	sst s25  }
0xa6: {  	s5 =	sshll.u32 s26, $0x1;
	_ =	strace $0x80000046;
	[dreg:$0x1] =	wrdreg $0xFFFFFFFF  }
0xa7: {  	s28 =	simm.s32 $_size_execute0_lowered;
	s3 =	sadd.s32 s3, s5;
	[dreg:$0x0] =	wrdreg $0x0  }
0xa8: {  	s5 =	sshll.u32 s28, $0x1;
	[dreg:$0x2] =	wrdreg s3  }
0xa9: {  	[dreg:$0x3] =	wrdreg s5  }
0xaa: {  	[dreg:$0x4] =	wrdreg $0xC0  }
0xab: {  	_ =	task [dreg:s7], $0x5FFFF  }
0xac: {  	[dreg:$0x1] =	wrdreg $0xFFFFFFFF  }
0xad: {  	[dreg:$0x0] =	wrdreg $0x60  }
0xae: {  	[dreg:$0x2] =	wrdreg s24  }
0xaf: {  	[dreg:$0x3] =	wrdreg s2  }
0xb0: {  	[dreg:$0x4] =	wrdreg $0x9  }
0xb1: {  	_ =	task.clear_ibuf [dreg:s7], $0x5FFFF;
	_ =	strace $0x90000046  }
0xb2: {  	s29 =	simm.s32 $0x9;
	_ =	strace $0x80000048  }
0xb3: {  	_ =	swait.ge [sflag:s29], $0x1  }
0xb4: {  	[sflag:s29] =	ssyncadd.s32 $0xFFFFFFFF  }
0xb5: {  	_ =	strace $0x90000048  }
0xb6: {  	_ =	sfence  }
0xb7: {  	s30 =	sld [smem:$0x0];
	_ =	sdelay $0x2  }
0xb8: {  	s31 =	sshll.u32 s1, $0xD;
	s1 =	sshrl.u32 s1, $0x2  }
0xb9: {  	s3 =	sand.u32 $0x4000, s31;
	s1 =	sadd.s32 s1, s30  }
0xba: {  	s0 =	sor.u32 s3, s0;
	s1 =	sshll.u32 s1, $0x11  }
0xbb: {  	s0 =	sor.u32 s1, s0  }
0xbc: {  	s0 =	sadd.s32 $0x8F2B, s0  }
0xbd: {  	[sflag:s0] =	ssyncadd.remote.s32 $0x1  }
0xbe: {  	_ =	sfence.sel $0xFFFF  }
0xbf: {  	[dreg:$0x0] =	wrdreg $0xFFFFFFFF;
	(pc) =	sbr.abs _section_cstart, $3  }
0xc0: {  	[dreg:$0x1] =	wrdreg $0xFFFFFFFF  }
0xc1: {  	_ =	task.clear_ibuf [dreg:s7], $0x2FFFF;
	_ =	strace $0x9FFFFFFF  }
0xc2: {  	(tm) =	ssettm $0x7FFFFFFF  }
0xc3: {  	_ =	shalt  }
tec
execute0_lowered:
.L_overlay_start_1:
0x0: {  	(tag) =	ssettag $0x1  }
0x1: {  	s0 =	rddreg [dreg:$0x0];
	s1 =	srdreg.scid  }
0x2: {  	s3 =	stileid.u32;
	s2 =	rddreg [dreg:$0x1]  }
0x3: {  	s14 =	simm.s32 $0x5;
	s15 =	simm.s32 $0xFA00;
	s16 =	simm.s32 $0x80  }
0x4: {  	s17 =	simm.s32 $0xFC00;
	s18 =	simm.s32 $0xFE00;
	s19 =	simm.s32 $0xFC80  }
0x5: {  	s20 =	simm.s32 $0x11E00;
	s21 =	simm.s32 $0xFB00;
	s22 =	simm.s32 $0xFD00  }
0x6: {  	s23 =	simm.s32 $0x13E00;
	s24 =	simm.s32 $0xFD80;
	s28 =	simm.s32 $0x3  }
0x7: {  	s29 =	simm.s32 $0x2;
	s30 =	simm.s32 $0x4;
	s31 =	simm.s32 $0x0  }
0x8: {  	s1 =	sand.u32 $0x1, s1;
	s4 =	sshll.u32 s3, $0x1;
	s3 =	simm.s32 $0x0  }
0x9: {  	s5 =	sadd.s32 $0x66800, s0;
	s6 =	sor.u32 s1, s4;
	[smem:$0x7FF] =	sst s3  }
0xa: {  	s4 =	sadd.s32 $0x2800, s0;
	s1 =	ssub.s32 $0x2, s1;
	s8 =	smul.u32 $0x19000, s6  }
0xb: {  	s0 =	sadd.s32 $0x800, s0;
	_ =	strace $0x80000047;
	s9 =	smul.u32 $0x640000, s6  }
.Ltmp0:
0xc: {  	[dreg:$0x3] =	wrdreg s0;
	s25 =	sshrl.u32 s1, $0x1;
	(pc) =	sbr.rel .LBB2_1-.Ltmp0, $4  }
0xd: {  	s0 =	ssub.s32 s1, s25;
	s25 =	simm.s32 $0x15E00;
	s7 =	sshrl.u32 s8, $0x3  }
0xe: {  	s10 =	sor.u32 $0x200, s8;
	s0 =	smax.u32 s0, $0x1;
	s7 =	sadd.s32 s4, s7  }
0xf: {  	v0 =	vlaneseq.u32;
	s11 =	sor.u32 $0x100, s8;
	[dreg:$0x5] =	wrdreg s0;
	s26 =	sadd.s32 $0x20, s7  }
0x10: {  	v0 =	vmul.u32 $0x40, v0;
	s12 =	sor.u32 $0x300, s8;
	[dreg:$0x4] =	wrdreg s26;
	s26 =	simm.s32 $0x1  }
.LBB2_19:
0x11: {  	_ =	swait.ge [sflag:s30], $0x4000  }
0x12: {  	s31 =	sadd.s32 $0x1, s31;
	s0 =	rddreg [dreg:$0x5]  }
0x13: {  	p0 =	sne.s32 s31, s0  }
.Ltmp1:
0x14: {  	_ = 	snop;
	(pc) =	sbr.rel @!p0 .LBB2_20-.Ltmp1, $3  }
0x15: {  	_ =	sdelay $0x1  }
0x16: {  	[sflag:s30] =	ssyncset.done $0x0  }
0x17: {  	[sflag:s30] =	ssyncadd.s32 $0xFFFFC000  }
.LBB2_1:
0x18: {  	s0 =	rddreg [dreg:$0x3]  }
0x19: {  	[tilespmem:s3], [sflag:$0x5] =	stream.linear.gather [hbm4b:s0+s3], $0xFA00, $0x38;
	[tilespmem:$0x17E00] =	vst v63  }
0x1a: {  	_ =	swait.ge [sflag:s14], $0xFA00  }
0x1b: {  	[sflag:s14] =	ssyncset.done $0x0  }
0x1c: {  	[sflag:s14] =	ssyncadd.s32 $0xFFFF0600  }
0x1d: {  	[tilespmem:s15], [sflag:$0x5] =	stream.linear.gather [hbm4b:s7+s3], $0x100, $0x38;
	[tilespmem:$0x17E00] =	vst v63  }
0x1e: {  	_ =	swait.ge [sflag:s14], $0x100  }
0x1f: {  	[sflag:s14] =	ssyncset.done $0x0  }
0x20: {  	[sflag:s14] =	ssyncadd.s32 $0xFFFFFF00  }
0x21: {  	v1 =	vld [tilespmem:$0xFA00]  }
0x22: {  	v2 =	vld [tilespmem:$0xFA10]  }
0x23: {  	v3 =	vld [tilespmem:$0xFA20]  }
0x24: {  	v4 =	vld [tilespmem:$0xFA30]  }
0x25: {  	v5 =	vld [tilespmem:$0xFA40]  }
0x26: {  	v6 =	vld [tilespmem:$0xFA50];
	vm0 =	vlt.s32 v1, $0xF423F  }
0x27: {  	v7 =	vld [tilespmem:$0xFA60];
	vm9 =	vlt.s32 v2, $0xF423F;
	v1 =	vnsel vm0, $0xF423F, v1  }
0x28: {  	vm10 =	vlt.s32 v3, $0xF423F;
	[tilespmem:$0xFC00] =	vst v1;
	v1 =	vnsel vm9, $0xF423F, v2;
	v2 =	vld [tilespmem:$0xFA70]  }
0x29: {  	vm11 =	vlt.s32 v4, $0xF423F;
	[tilespmem:$0xFC10] =	vst v1;
	v1 =	vnsel vm10, $0xF423F, v3;
	v3 =	vld [tilespmem:$0xFA80]  }
0x2a: {  	v50 =	vld [tilespmem:$0xFA90];
	vm12 =	vlt.s32 v5, $0xF423F;
	[tilespmem:$0xFC20] =	vst v1;
	v1 =	vnsel vm11, $0xF423F, v4  }
0x2b: {  	v51 =	vld [tilespmem:$0xFAA0];
	vm13 =	vlt.s32 v6, $0xF423F;
	[tilespmem:$0xFC30] =	vst v1;
	v1 =	vnsel vm12, $0xF423F, v5  }
0x2c: {  	v52 =	vld [tilespmem:$0xFAB0];
	vm14 =	vlt.s32 v7, $0xF423F;
	[tilespmem:$0xFC40] =	vst v1;
	v1 =	vnsel vm13, $0xF423F, v6  }
0x2d: {  	v53 =	vld [tilespmem:$0xFAC0];
	[tilespmem:$0xFC50] =	vst v1;
	v1 =	vnsel vm14, $0xF423F, v7;
	vm15 =	vlt.s32 v2, $0xF423F  }
0x2e: {  	[tilespmem:$0xFC60] =	vst v1;
	v1 =	vnsel vm15, $0xF423F, v2;
	vm4 =	vlt.s32 v3, $0xF423F;
	v2 =	vld [tilespmem:$0xFAD0]  }
0x2f: {  	vm5 =	vlt.s32 v50, $0xF423F;
	[tilespmem:$0xFC70] =	vst v1;
	v1 =	vnsel vm4, $0xF423F, v3;
	v3 =	vld [tilespmem:$0xFAE0]  }
0x30: {  	v54 =	vld [tilespmem:$0xFAF0];
	vm6 =	vlt.s32 v51, $0xF423F;
	[tilespmem:$0xFC80] =	vst v1;
	v1 =	vnsel vm5, $0xF423F, v50  }
0x31: {  	vm7 =	vlt.s32 v52, $0xF423F;
	[tilespmem:$0xFC90] =	vst v1;
	v1 =	vnsel vm6, $0xF423F, v51  }
0x32: {  	vm8 =	vlt.s32 v53, $0xF423F;
	[tilespmem:$0xFCA0] =	vst v1;
	v1 =	vnsel vm7, $0xF423F, v52  }
0x33: {  	[tilespmem:$0xFCB0] =	vst v1;
	v1 =	vnsel vm8, $0xF423F, v53;
	vm9 =	vlt.s32 v2, $0xF423F  }
0x34: {  	[tilespmem:$0xFCC0] =	vst v1;
	v1 =	vnsel vm9, $0xF423F, v2;
	vm10 =	vlt.s32 v3, $0xF423F  }
0x35: {  	vm11 =	vlt.s32 v54, $0xF423F;
	[tilespmem:$0xFCD0] =	vst v1;
	v1 =	vnsel vm10, $0xF423F, v3  }
0x36: {  	[tilespmem:$0xFCE0] =	vst v1;
	v1 =	vnsel vm11, $0xF423F, v54  }
0x37: {  	[tilespmem:$0xFCF0] =	vst v1  }
0x38: {  	[tilespmem:s18], [sflag:$0x1] =	stream.indirect.gather [hbm4b:s5+s16], $0x40, s17, s16, $0xb8;
	[tilespmem:$0x17E00] =	vst v63  }
0x39: {  	_ = 	snop  }
0x3a: {  	[tilespmem:s20], [sflag:$0x1] =	stream.indirect.gather [hbm4b:s5+s16], $0x40, s19, s16, $0xb8;
	[tilespmem:$0x17E00] =	vst v63  }
0x3b: {  	s13 =	rddreg [dreg:$0x4]  }
0x3c: {  	[tilespmem:s21], [sflag:$0x5] =	stream.linear.gather [hbm4b:s13+s3], $0x100, $0x38;
	[tilespmem:$0x17E00] =	vst v63  }
0x3d: {  	_ =	swait.ge [sflag:s14], $0x100  }
0x3e: {  	[sflag:s14] =	ssyncset.done $0x0  }
0x3f: {  	[sflag:s14] =	ssyncadd.s32 $0xFFFFFF00  }
0x40: {  	v1 =	vld [tilespmem:$0xFB00]  }
0x41: {  	v2 =	vld [tilespmem:$0xFB10]  }
0x42: {  	v3 =	vld [tilespmem:$0xFB20]  }
0x43: {  	v55 =	vld [tilespmem:$0xFB30]  }
0x44: {  	v56 =	vld [tilespmem:$0xFB40]  }
0x45: {  	v57 =	vld [tilespmem:$0xFB50];
	vm12 =	vlt.s32 v1, $0xF423F  }
0x46: {  	v58 =	vld [tilespmem:$0xFB60];
	vm13 =	vlt.s32 v2, $0xF423F;
	v1 =	vnsel vm12, $0xF423F, v1  }
0x47: {  	vm14 =	vlt.s32 v3, $0xF423F;
	[tilespmem:$0xFD00] =	vst v1;
	v1 =	vnsel vm13, $0xF423F, v2;
	v2 =	vld [tilespmem:$0xFB70]  }
0x48: {  	vm15 =	vlt.s32 v55, $0xF423F;
	[tilespmem:$0xFD10] =	vst v1;
	v1 =	vnsel vm14, $0xF423F, v3;
	v3 =	vld [tilespmem:$0xFB80]  }
0x49: {  	v59 =	vld [tilespmem:$0xFB90];
	vm4 =	vlt.s32 v56, $0xF423F;
	[tilespmem:$0xFD20] =	vst v1;
	v1 =	vnsel vm15, $0xF423F, v55  }
0x4a: {  	v60 =	vld [tilespmem:$0xFBA0];
	vm5 =	vlt.s32 v57, $0xF423F;
	[tilespmem:$0xFD30] =	vst v1;
	v1 =	vnsel vm4, $0xF423F, v56  }
0x4b: {  	v61 =	vld [tilespmem:$0xFBB0];
	vm6 =	vlt.s32 v58, $0xF423F;
	[tilespmem:$0xFD40] =	vst v1;
	v1 =	vnsel vm5, $0xF423F, v57  }
0x4c: {  	v62 =	vld [tilespmem:$0xFBC0];
	[tilespmem:$0xFD50] =	vst v1;
	v1 =	vnsel vm6, $0xF423F, v58;
	vm7 =	vlt.s32 v2, $0xF423F  }
0x4d: {  	[tilespmem:$0xFD60] =	vst v1;
	v1 =	vnsel vm7, $0xF423F, v2;
	vm8 =	vlt.s32 v3, $0xF423F;
	v2 =	vld [tilespmem:$0xFBD0]  }
0x4e: {  	vm9 =	vlt.s32 v59, $0xF423F;
	[tilespmem:$0xFD70] =	vst v1;
	v1 =	vnsel vm8, $0xF423F, v3;
	v3 =	vld [tilespmem:$0xFBE0]  }
0x4f: {  	v63 =	vld [tilespmem:$0xFBF0];
	vm10 =	vlt.s32 v60, $0xF423F;
	[tilespmem:$0xFD80] =	vst v1;
	v1 =	vnsel vm9, $0xF423F, v59  }
0x50: {  	vm11 =	vlt.s32 v61, $0xF423F;
	[tilespmem:$0xFD90] =	vst v1;
	v1 =	vnsel vm10, $0xF423F, v60  }
0x51: {  	vm12 =	vlt.s32 v62, $0xF423F;
	[tilespmem:$0xFDA0] =	vst v1;
	v1 =	vnsel vm11, $0xF423F, v61  }
0x52: {  	[tilespmem:$0xFDB0] =	vst v1;
	v1 =	vnsel vm12, $0xF423F, v62;
	vm13 =	vlt.s32 v2, $0xF423F  }
0x53: {  	[tilespmem:$0xFDC0] =	vst v1;
	v1 =	vnsel vm13, $0xF423F, v2;
	vm14 =	vlt.s32 v3, $0xF423F  }
0x54: {  	vm15 =	vlt.s32 v63, $0xF423F;
	[tilespmem:$0xFDD0] =	vst v1;
	v1 =	vnsel vm14, $0xF423F, v3  }
0x55: {  	[tilespmem:$0xFDE0] =	vst v1;
	v1 =	vnsel vm15, $0xF423F, v63  }
0x56: {  	[tilespmem:$0xFDF0] =	vst v1  }
0x57: {  	[tilespmem:s23], [sflag:$0x2] =	stream.indirect.gather [hbm4b:s5+s16], $0x40, s22, s16, $0xb8;
	[tilespmem:$0x17E00] =	vst v63  }
0x58: {  	s1 =	simm.s32 $0x0  }
0x59: {  	[tilespmem:s25], [sflag:$0x2] =	stream.indirect.gather [hbm4b:s5+s16], $0x40, s24, s16, $0xb8;
	[tilespmem:$0x17E00] =	vst v63  }
.LBB2_2:
0x5a: {  	_ =	swait.ge [sflag:s26], $0x2000  }
.Ltmp2:
0x5b: {  	[sflag:s26] =	ssyncset.done $0x0;
	(pc) =	sbr.rel .LBB2_3-.Ltmp2, $4  }
0x5c: {  	[sflag:s26] =	ssyncadd.s32 $0xFFFFE000  }
0x5d: {  	_ =	swait.ge [sflag:s26], $0x2000  }
0x5e: {  	[sflag:s26] =	ssyncset.done $0x0  }
0x5f: {  	s0 =	simm.s32 $0x0;
	[sflag:s26] =	ssyncadd.s32 $0xFFFFE000  }
.LBB2_6:
0x60: {  	_ =	sdelay $0x3  }
0x61: {  	v7 =	vand.u32 $0x38, v5;
	v4 =	vor.u32 v2, v4  }
0x62: {  	v6 =	vld.idx.msk [tilespmem:v6+s3+$0x0], vm0;
	v63 =	vand.u32 $0x7, v5;
	v1 =	vor.u32 v1, v7;
	v3 =	vor.u32 v3, v4  }
0x63: {  	v1 =	vor.u32 v63, v1;
	_ =	sdelay $0x3  }
0x64: {  	v2 =	vor.u32 v2, v7;
	[tilespmem:v3+s18+$0x0] =	vst.idx.msk vm0, v6  }
0x65: {  	v2 =	vor.u32 v63, v2;
	v1 =	vld.idx.msk [tilespmem:v1+s3+$0x0], vm0;
	_ =	sdelay $0x4  }
0x66: {  	[tilespmem:v2+s18+$0x0] =	vst.idx.msk vm0, v1  }
.LBB2_7:
0x67: {  	s0 =	sadd.s32 $0x1, s0  }
0x68: {  	p0 =	sne.s32 s0, $0x10  }
.Ltmp3:
0x69: {  	_ = 	snop;
	(pc) =	sbr.rel @!p0 .LBB2_8-.Ltmp3, $1  }
0x6a: {  	_ =	sdelay $0x3  }
.LBB2_3:
0x6b: {  	s6 =	sshll.u32 s0, $0x4  }
0x6c: {  	v1 =	vld [tilespmem:s6+$0xFA00];
	_ =	sdelay $0x4  }
0x6d: {  	vm0 =	vgt.s32 v1, $0xF423F  }
0x6e: {  	v2 =	vmpcnt.ones.xlane vm0;
	_ =	sdelay $0x1  }
0x6f: {  	(v2sf) =	vpush v2, $0x0;
	_ =	sdelay $0xe  }
0x70: {  	s8 =	spop (v2sf)  }
0x71: {  	p0 =	slt.s32 s8, $0x1  }
.Ltmp4:
0x72: {  	_ = 	snop;
	(pc) =	sbr.rel @p0 .LBB2_7-.Ltmp4, $1  }
0x73: {  	_ =	sdelay $0x3  }
0x74: {  	v1 =	vadd.s32 $0xFFF0BDC0, v1  }
0x75: {  	s8 =	simm.s32 $0x0;
	vm1 =	vgt.s32 v1, $0x0  }
0x76: {  	v2 =	vmov s8;
	v1 =	vnsel vm1, $0x0, v1  }
0x77: {  	v3 =	vmov s6;
	v4 =	vand.u32 $0x38, v2;
	v1 =	vshll.u32 v1, $0x6  }
0x78: {  	v5 =	vshll.u32 v3, $0x6;
	v3 =	vand.u32 $0x7, v2;
	v6 =	vor.u32 v1, v4  }
0x79: {  	v6 =	vor.u32 v3, v6;
	_ =	sdelay $0x2  }
0x7a: {  	s13 =	simm.s32 $0x1  }
0x7b: {  	s6 =	simm.s32 $0x2;
	v2 =	vor.u32 v0, v5;
	v5 =	vmov s13  }
.LBB2_5:
0x7c: {  	p0 =	sne.s32 s6, $0x3F;
	v7 =	vld.idx.msk [tilespmem:v6+s3+$0x0], vm0;
	v6 =	vor.u32 v2, v4;
	v4 =	vand.u32 $0x38, v5  }
0x7d: {  	v8 =	vor.u32 v1, v4;
	v9 =	vor.u32 v3, v6;
	v3 =	vand.u32 $0x7, v5  }
.Ltmp5:
0x7e: {  	v6 =	vor.u32 v3, v8;
	(pc) =	sbr.rel @p0 .LBB2_5-.Ltmp5, $2  }
0x7f: {  	_ =	sdelay $0x2  }
0x80: {  	v5 =	vmov s6;
	s6 =	sadd.s32 $0x1, s6;
	[tilespmem:v9+s18+$0x0] =	vst.idx.msk vm0, v7  }
.Ltmp6:
0x81: {  	_ = 	snop;
	(pc) =	sbr.rel .LBB2_6-.Ltmp6, $1  }
0x82: {  	_ =	sdelay $0x3  }
.LBB2_8:
0x83: {  	s0 =	sshll.u32 s1, $0xF;
	p0 =	seq.s32 s1, $0xC7  }
.Ltmp7:
0x84: {  	s0 =	sadd.s32 s9, s0;
	(pc) =	sbr.rel @!p0 .LBB2_9-.Ltmp7, $4  }
0x85: {  	s0 =	sshrl.u32 s0, $0x3  }
0x86: {  	s0 =	sadd.s32 s2, s0  }
0x87: {  	[hbm4b:s0+s3] =	stream.linear.scatter [tilespmem:s18], [sflag:$0x3], $0x4000, $0x38;
	[tilespmem:$0x17E00] =	vst v63  }
0x88: {  	s0 =	sshll.u32 s1, $0x9  }
.Ltmp8:
0x89: {  	(pc) =	sbr.rel .LBB2_11-.Ltmp8, $4  }
0x8a: {  	_ = 	snop  }
0x8b: {  	_ =	swait.ge [sflag:s28], $0x4000  }
0x8c: {  	[sflag:s28] =	ssyncset.done $0x0  }
0x8d: {  	[sflag:s28] =	ssyncadd.s32 $0xFFFFC000  }
.LBB2_9:
0x8e: {  	s6 =	sadd.s32 s0, s10  }
0x8f: {  	s6 =	sshrl.u32 s6, $0x3  }
0x90: {  	s6 =	sadd.s32 s4, s6  }
0x91: {  	[tilespmem:s15], [sflag:$0x5] =	stream.linear.gather [hbm4b:s6+s3], $0x100, $0x38;
	[tilespmem:$0x17E00] =	vst v63  }
0x92: {  	_ =	swait.ge [sflag:s14], $0x100  }
0x93: {  	[sflag:s14] =	ssyncset.done $0x0  }
0x94: {  	[sflag:s14] =	ssyncadd.s32 $0xFFFFFF00  }
0x95: {  	v1 =	vld [tilespmem:$0xFA00]  }
0x96: {  	v2 =	vld [tilespmem:$0xFA10]  }
0x97: {  	v3 =	vld [tilespmem:$0xFA20]  }
0x98: {  	v4 =	vld [tilespmem:$0xFA30]  }
0x99: {  	v5 =	vld [tilespmem:$0xFA40]  }
0x9a: {  	v6 =	vld [tilespmem:$0xFA50];
	vm0 =	vlt.s32 v1, $0xF423F  }
0x9b: {  	v7 =	vld [tilespmem:$0xFA60];
	vm13 =	vlt.s32 v2, $0xF423F;
	v1 =	vnsel vm0, $0xF423F, v1  }
0x9c: {  	vm14 =	vlt.s32 v3, $0xF423F;
	[tilespmem:$0xFC00] =	vst v1;
	v1 =	vnsel vm13, $0xF423F, v2;
	v2 =	vld [tilespmem:$0xFA70]  }
0x9d: {  	vm15 =	vlt.s32 v4, $0xF423F;
	[tilespmem:$0xFC10] =	vst v1;
	v1 =	vnsel vm14, $0xF423F, v3;
	v3 =	vld [tilespmem:$0xFA80]  }
0x9e: {  	v59 =	vld [tilespmem:$0xFA90];
	vm4 =	vlt.s32 v5, $0xF423F;
	[tilespmem:$0xFC20] =	vst v1;
	v1 =	vnsel vm15, $0xF423F, v4  }
0x9f: {  	v60 =	vld [tilespmem:$0xFAA0];
	vm5 =	vlt.s32 v6, $0xF423F;
	[tilespmem:$0xFC30] =	vst v1;
	v1 =	vnsel vm4, $0xF423F, v5  }
0xa0: {  	v61 =	vld [tilespmem:$0xFAB0];
	vm6 =	vlt.s32 v7, $0xF423F;
	[tilespmem:$0xFC40] =	vst v1;
	v1 =	vnsel vm5, $0xF423F, v6  }
0xa1: {  	v62 =	vld [tilespmem:$0xFAC0];
	[tilespmem:$0xFC50] =	vst v1;
	v1 =	vnsel vm6, $0xF423F, v7;
	vm7 =	vlt.s32 v2, $0xF423F  }
0xa2: {  	[tilespmem:$0xFC60] =	vst v1;
	v1 =	vnsel vm7, $0xF423F, v2;
	vm8 =	vlt.s32 v3, $0xF423F;
	v2 =	vld [tilespmem:$0xFAD0]  }
0xa3: {  	vm9 =	vlt.s32 v59, $0xF423F;
	[tilespmem:$0xFC70] =	vst v1;
	v1 =	vnsel vm8, $0xF423F, v3;
	v3 =	vld [tilespmem:$0xFAE0]  }
0xa4: {  	v63 =	vld [tilespmem:$0xFAF0];
	vm10 =	vlt.s32 v60, $0xF423F;
	[tilespmem:$0xFC80] =	vst v1;
	v1 =	vnsel vm9, $0xF423F, v59  }
0xa5: {  	vm11 =	vlt.s32 v61, $0xF423F;
	[tilespmem:$0xFC90] =	vst v1;
	v1 =	vnsel vm10, $0xF423F, v60  }
0xa6: {  	vm12 =	vlt.s32 v62, $0xF423F;
	[tilespmem:$0xFCA0] =	vst v1;
	v1 =	vnsel vm11, $0xF423F, v61  }
0xa7: {  	[tilespmem:$0xFCB0] =	vst v1;
	v1 =	vnsel vm12, $0xF423F, v62;
	vm13 =	vlt.s32 v2, $0xF423F  }
0xa8: {  	[tilespmem:$0xFCC0] =	vst v1;
	v1 =	vnsel vm13, $0xF423F, v2;
	vm14 =	vlt.s32 v3, $0xF423F  }
0xa9: {  	vm15 =	vlt.s32 v63, $0xF423F;
	[tilespmem:$0xFCD0] =	vst v1;
	v1 =	vnsel vm14, $0xF423F, v3  }
0xaa: {  	[tilespmem:$0xFCE0] =	vst v1;
	v1 =	vnsel vm15, $0xF423F, v63  }
0xab: {  	[tilespmem:$0xFCF0] =	vst v1  }
0xac: {  	_ =	swait.ge [sflag:s28], $0x4000  }
0xad: {  	[sflag:s28] =	ssyncset.done $0x0  }
0xae: {  	[sflag:s28] =	ssyncadd.s32 $0xFFFFC000  }
0xaf: {  	[tilespmem:s18], [sflag:$0x1] =	stream.indirect.gather [hbm4b:s5+s16], $0x40, s17, s16, $0xb8;
	[tilespmem:$0x17E00] =	vst v63  }
0xb0: {  	_ = 	snop  }
0xb1: {  	[tilespmem:s20], [sflag:$0x1] =	stream.indirect.gather [hbm4b:s5+s16], $0x40, s19, s16, $0xb8;
	[tilespmem:$0x17E00] =	vst v63  }
.LBB2_11:
0xb2: {  	_ =	swait.ge [sflag:s29], $0x2000  }
.Ltmp9:
0xb3: {  	[sflag:s29] =	ssyncset.done $0x0;
	(pc) =	sbr.rel .LBB2_12-.Ltmp9, $4  }
0xb4: {  	[sflag:s29] =	ssyncadd.s32 $0xFFFFE000  }
0xb5: {  	_ =	swait.ge [sflag:s29], $0x2000  }
0xb6: {  	[sflag:s29] =	ssyncset.done $0x0  }
0xb7: {  	s6 =	simm.s32 $0x0;
	[sflag:s29] =	ssyncadd.s32 $0xFFFFE000  }
.LBB2_15:
0xb8: {  	_ =	sdelay $0x3  }
0xb9: {  	v7 =	vand.u32 $0x38, v5;
	v4 =	vor.u32 v2, v4  }
0xba: {  	v6 =	vld.idx.msk [tilespmem:v6+s3+$0x0], vm0;
	v63 =	vand.u32 $0x7, v5;
	v1 =	vor.u32 v1, v7;
	v3 =	vor.u32 v3, v4  }
0xbb: {  	v1 =	vor.u32 v63, v1;
	_ =	sdelay $0x3  }
0xbc: {  	v2 =	vor.u32 v2, v7;
	[tilespmem:v3+s18+$0x0] =	vst.idx.msk vm0, v6  }
0xbd: {  	v2 =	vor.u32 v63, v2;
	v1 =	vld.idx.msk [tilespmem:v1+s3+$0x0], vm0;
	_ =	sdelay $0x4  }
0xbe: {  	[tilespmem:v2+s18+$0x0] =	vst.idx.msk vm0, v1  }
.LBB2_16:
0xbf: {  	s6 =	sadd.s32 $0x1, s6  }
0xc0: {  	p1 =	sne.s32 s6, $0x10  }
.Ltmp10:
0xc1: {  	_ = 	snop;
	(pc) =	sbr.rel @!p1 .LBB2_17-.Ltmp10, $1  }
0xc2: {  	_ =	sdelay $0x3  }
.LBB2_12:
0xc3: {  	s8 =	sshll.u32 s6, $0x4  }
0xc4: {  	v1 =	vld [tilespmem:s8+$0xFB00];
	_ =	sdelay $0x4  }
0xc5: {  	vm0 =	vgt.s32 v1, $0xF423F  }
0xc6: {  	v2 =	vmpcnt.ones.xlane vm0;
	_ =	sdelay $0x1  }
0xc7: {  	(v2sf) =	vpush v2, $0x0;
	_ =	sdelay $0xe  }
0xc8: {  	s13 =	spop (v2sf)  }
0xc9: {  	p1 =	slt.s32 s13, $0x1  }
.Ltmp11:
0xca: {  	_ = 	snop;
	(pc) =	sbr.rel @p1 .LBB2_16-.Ltmp11, $1  }
0xcb: {  	_ =	sdelay $0x3  }
0xcc: {  	v1 =	vadd.s32 $0xFFF0BDC0, v1  }
0xcd: {  	s13 =	simm.s32 $0x0;
	vm1 =	vgt.s32 v1, $0x0  }
0xce: {  	s8 =	sadd.s32 $0x100, s8;
	v2 =	vmov s13;
	v1 =	vnsel vm1, $0x0, v1  }
0xcf: {  	v3 =	vmov s8;
	v4 =	vand.u32 $0x38, v2;
	v1 =	vshll.u32 v1, $0x6  }
0xd0: {  	v5 =	vshll.u32 v3, $0x6;
	v3 =	vand.u32 $0x7, v2;
	v6 =	vor.u32 v1, v4  }
0xd1: {  	v6 =	vor.u32 v3, v6;
	_ =	sdelay $0x2  }
0xd2: {  	s13 =	simm.s32 $0x1  }
0xd3: {  	s8 =	simm.s32 $0x2;
	v2 =	vor.u32 v0, v5;
	v5 =	vmov s13  }
.LBB2_14:
0xd4: {  	p1 =	sne.s32 s8, $0x3F;
	v7 =	vld.idx.msk [tilespmem:v6+s3+$0x0], vm0;
	v6 =	vor.u32 v2, v4;
	v4 =	vand.u32 $0x38, v5  }
0xd5: {  	v8 =	vor.u32 v1, v4;
	v9 =	vor.u32 v3, v6;
	v3 =	vand.u32 $0x7, v5  }
.Ltmp12:
0xd6: {  	v6 =	vor.u32 v3, v8;
	(pc) =	sbr.rel @p1 .LBB2_14-.Ltmp12, $2  }
0xd7: {  	_ =	sdelay $0x2  }
0xd8: {  	v5 =	vmov s8;
	s8 =	sadd.s32 $0x1, s8;
	[tilespmem:v9+s18+$0x0] =	vst.idx.msk vm0, v7  }
.Ltmp13:
0xd9: {  	_ = 	snop;
	(pc) =	sbr.rel .LBB2_15-.Ltmp13, $1  }
0xda: {  	_ =	sdelay $0x3  }
.LBB2_17:
.Ltmp14:
0xdb: {  	s6 =	sadd.s32 s0, s11;
	(pc) =	sbr.rel @p0 .LBB2_19-.Ltmp14, $4  }
0xdc: {  	s6 =	sshll.u32 s6, $0x3  }
0xdd: {  	s6 =	sand.u32 $0x1FFFF800, s6  }
0xde: {  	s6 =	sadd.s32 s2, s6  }
0xdf: {  	[hbm4b:s6+s3] =	stream.linear.scatter [tilespmem:s23], [sflag:$0x4], $0x4000, $0x38;
	[tilespmem:$0x17E00] =	vst v63  }
0xe0: {  	s0 =	sadd.s32 s0, s12  }
0xe1: {  	s0 =	sshrl.u32 s0, $0x3  }
0xe2: {  	s0 =	sadd.s32 s4, s0  }
0xe3: {  	[tilespmem:s21], [sflag:$0x5] =	stream.linear.gather [hbm4b:s0+s3], $0x100, $0x38;
	[tilespmem:$0x17E00] =	vst v63  }
0xe4: {  	_ =	swait.ge [sflag:s14], $0x100  }
0xe5: {  	[sflag:s14] =	ssyncset.done $0x0  }
0xe6: {  	[sflag:s14] =	ssyncadd.s32 $0xFFFFFF00  }
0xe7: {  	v1 =	vld [tilespmem:$0xFB00]  }
0xe8: {  	v2 =	vld [tilespmem:$0xFB10]  }
0xe9: {  	v3 =	vld [tilespmem:$0xFB20]  }
0xea: {  	v4 =	vld [tilespmem:$0xFB30]  }
0xeb: {  	v5 =	vld [tilespmem:$0xFB40]  }
0xec: {  	v6 =	vld [tilespmem:$0xFB50];
	vm0 =	vlt.s32 v1, $0xF423F  }
0xed: {  	v7 =	vld [tilespmem:$0xFB60];
	vm13 =	vlt.s32 v2, $0xF423F;
	v1 =	vnsel vm0, $0xF423F, v1  }
0xee: {  	vm14 =	vlt.s32 v3, $0xF423F;
	[tilespmem:$0xFD00] =	vst v1;
	v1 =	vnsel vm13, $0xF423F, v2;
	v2 =	vld [tilespmem:$0xFB70]  }
0xef: {  	vm15 =	vlt.s32 v4, $0xF423F;
	[tilespmem:$0xFD10] =	vst v1;
	v1 =	vnsel vm14, $0xF423F, v3;
	v3 =	vld [tilespmem:$0xFB80]  }
0xf0: {  	v59 =	vld [tilespmem:$0xFB90];
	vm4 =	vlt.s32 v5, $0xF423F;
	[tilespmem:$0xFD20] =	vst v1;
	v1 =	vnsel vm15, $0xF423F, v4  }
0xf1: {  	v60 =	vld [tilespmem:$0xFBA0];
	vm5 =	vlt.s32 v6, $0xF423F;
	[tilespmem:$0xFD30] =	vst v1;
	v1 =	vnsel vm4, $0xF423F, v5  }
0xf2: {  	v61 =	vld [tilespmem:$0xFBB0];
	vm6 =	vlt.s32 v7, $0xF423F;
	[tilespmem:$0xFD40] =	vst v1;
	v1 =	vnsel vm5, $0xF423F, v6  }
0xf3: {  	v62 =	vld [tilespmem:$0xFBC0];
	[tilespmem:$0xFD50] =	vst v1;
	v1 =	vnsel vm6, $0xF423F, v7;
	vm7 =	vlt.s32 v2, $0xF423F  }
0xf4: {  	[tilespmem:$0xFD60] =	vst v1;
	v1 =	vnsel vm7, $0xF423F, v2;
	vm8 =	vlt.s32 v3, $0xF423F;
	v2 =	vld [tilespmem:$0xFBD0]  }
0xf5: {  	vm9 =	vlt.s32 v59, $0xF423F;
	[tilespmem:$0xFD70] =	vst v1;
	v1 =	vnsel vm8, $0xF423F, v3;
	v3 =	vld [tilespmem:$0xFBE0]  }
0xf6: {  	v63 =	vld [tilespmem:$0xFBF0];
	vm10 =	vlt.s32 v60, $0xF423F;
	[tilespmem:$0xFD80] =	vst v1;
	v1 =	vnsel vm9, $0xF423F, v59  }
0xf7: {  	vm11 =	vlt.s32 v61, $0xF423F;
	[tilespmem:$0xFD90] =	vst v1;
	v1 =	vnsel vm10, $0xF423F, v60  }
0xf8: {  	vm12 =	vlt.s32 v62, $0xF423F;
	[tilespmem:$0xFDA0] =	vst v1;
	v1 =	vnsel vm11, $0xF423F, v61  }
0xf9: {  	[tilespmem:$0xFDB0] =	vst v1;
	v1 =	vnsel vm12, $0xF423F, v62;
	vm13 =	vlt.s32 v2, $0xF423F  }
0xfa: {  	[tilespmem:$0xFDC0] =	vst v1;
	v1 =	vnsel vm13, $0xF423F, v2;
	vm14 =	vlt.s32 v3, $0xF423F  }
0xfb: {  	vm15 =	vlt.s32 v63, $0xF423F;
	[tilespmem:$0xFDD0] =	vst v1;
	v1 =	vnsel vm14, $0xF423F, v3  }
0xfc: {  	[tilespmem:$0xFDE0] =	vst v1;
	v1 =	vnsel vm15, $0xF423F, v63  }
0xfd: {  	[tilespmem:$0xFDF0] =	vst v1  }
0xfe: {  	_ =	swait.ge [sflag:s30], $0x4000  }
.Ltmp15:
0xff: {  	[sflag:s30] =	ssyncset.done $0x0;
	(pc) =	sbr.rel .LBB2_2-.Ltmp15, $4  }
0x100: {  	[sflag:s30] =	ssyncadd.s32 $0xFFFFC000  }
0x101: {  	[tilespmem:s23], [sflag:$0x2] =	stream.indirect.gather [hbm4b:s5+s16], $0x40, s22, s16, $0xb8;
	[tilespmem:$0x17E00] =	vst v63  }
0x102: {  	s1 =	sadd.s32 $0x1, s1  }
0x103: {  	[tilespmem:s25], [sflag:$0x2] =	stream.indirect.gather [hbm4b:s5+s16], $0x40, s24, s16, $0xb8;
	[tilespmem:$0x17E00] =	vst v63  }
.LBB2_20:
0x104: {  	_ =	sfence.sel $0x180000  }
0x105: {  	[bflag:$0x0] =	sbarrier.arrive $0xFFFF  }
0x106: {  	_ =	strace $0x90000047  }
0x107: {  	s0 =	stileid.u32;
	[bflag:$0x2] =	sbarrier.arrive $0xFFFF  }
0x108: {  	p0 =	sne.s32 s0, $0x0;
	s0 =	rddreg [dreg:$0x2]  }
0x109: {  	s0 =	sadd.s32 @!p0 $0x100000, s0  }
0x10a: {  	[sflag:s0] =	ssyncadd.tile.s32 @!p0 $0x1;
	_ =	shalt  }
.Lfunc_end2:
_tile_overlayer_lowered:
.L_overlay_start_2:
0x10b: {  	(tag) =	ssettag $0x2  }
0x10c: {  	s0 =	rddreg [dreg:$0x0];
	s2 =	stileid.u32  }
0x10d: {  	s1 =	rddreg [dreg:$0x1];
	p0 =	sne.s32 s2, $0x0  }
0x10e: {  	s3 =	rddreg [dreg:$0x2];
	[bflag:$0x3] =	sbarrier.arrive $0xFFFF;
	s2 =	simm.s32 @!p0 $0x1C05  }
0x10f: {  	[timem:s3], [sflag:s2] =	dma.local @!p0 [hbm:s0], s1  }
0x110: {  	s0 =	simm.s32 @!p0 $0x5  }
0x111: {  	_ =	swait.ge @!p0 [sflag:s0], s1  }
0x112: {  	s1 =	ssub.s32 @!p0 $0x0, s1;
	[sflag:s0] =	ssyncset.done @!p0 $0x0  }
0x113: {  	[sflag:s0] =	ssyncadd.s32 @!p0 s1  }
0x114: {  	[bflag:$0x3] =	sbarrier.arrive $0xFFFF  }
0x115: {  	_ =	shalt  }

// kernel: sparse-core-data-format-call.cloned.1.call-start
scs
called_computation_lowered:
.L_overlay_start_0:
0x0: {  	s2 =	sld [smem:$0x3FD9]  }
0x1: {  	s3 =	sld [smem:$0x3FFE];
	_ =	sdelay $0x1  }
0x2: {  	s1 =	srdreg.scid  }
0x3: {  	s0 =	sand.u32 $0x1, s1  }
0x4: {  	s18 =	sshll.u32 s0, $0xA;
	s2 =	sadd.s32 s3, s2  }
0x5: {  	s2 =	sadd.s32 s2, s18  }
0x6: {  	[smem:$0x3FC5] =	sst s2  }
0x7: {  	_ = 	snop  }
0x8: {  	s2 =	sld [smem:$0x3FD0];
	(tm) =	ssettm $0x1  }
0x9: {  	s19 =	sld [smem:$0x3FFB];
	_ =	sdelay $0x3  }
0xa: {  	_ =	strace s19  }
0xb: {  	s3 =	sld [smem:$0x3FFC];
	_ =	sdelay $0x3  }
0xc: {  	_ =	strace s3  }
0xd: {  	s3 =	sld [smem:$0x3FFD];
	_ =	sdelay $0x3  }
0xe: {  	_ =	strace s3  }
0xf: {  	_ =	strace $0x8FFFFFFF  }
0x10: {  	s20 =	sld [smem:$0x3FDB];
	_ =	sdelay $0x1  }
0x11: {  	s4 =	simm.s32 $_scs_section_size  }
0x12: {  	s5 =	simm.s32 $_size__tile_overlayer_lowered;
	s6 =	simm.s32 $_tile_overlayer_lowered  }
0x13: {  	s23 =	simm.s32 $0x1BFF;
	s22 =	sshll.u32 s6, $0x1;
	s3 =	sadd.s32 s4, s20  }
0x14: {  	s7 =	simm.s32 $0x0;
	s21 =	sshll.u32 s5, $0x1;
	s5 =	sadd.s32 s22, s3  }
0x15: {  	[timem:s7], [sflag:s23] =	dma.local [hbm:s5], s21  }
0x16: {  	_ =	swait.ge [sflag:s23], s21  }
0x17: {  	s4 =	ssub.s32 $0x0, s21;
	[sflag:s23] =	ssyncset.done $0x0  }
0x18: {  	[sflag:s23] =	ssyncadd.s32 s4;
	_ =	sdelay $0x1  }
0x19: {  	s24 =	simm.s32 $0x1B8B  }
0x1a: {  	_ =	swait.ge [sflag:s24], $0x1  }
0x1b: {  	[sflag:s24] =	ssyncset.done $0x0  }
0x1c: {  	s26 =	simm.s32 $0x1B8E;
	s25 =	sld [smem:$0x3FFE];
	[sflag:s24] =	ssyncadd.s32 $0xFFFFFFFF  }
0x1d: {  	s27 =	simm.s32 $execute0_lowered;
	[smem:$0x3FD2] =	sst s26  }
0x1e: {  	s5 =	sshll.u32 s27, $0x1;
	_ =	strace $0x80000049;
	[dreg:$0x1] =	wrdreg $0xFFFFFFFF  }
0x1f: {  	s28 =	simm.s32 $_size_execute0_lowered;
	s3 =	sadd.s32 s3, s5;
	[dreg:$0x0] =	wrdreg $0x0  }
0x20: {  	s5 =	sshll.u32 s28, $0x1;
	[dreg:$0x2] =	wrdreg s3  }
0x21: {  	[dreg:$0x3] =	wrdreg s5  }
0x22: {  	[dreg:$0x4] =	wrdreg $0xC0  }
0x23: {  	_ =	task [dreg:s7], $0x5FFFF  }
0x24: {  	[dreg:$0x1] =	wrdreg $0xFFFFFFFF  }
0x25: {  	[dreg:$0x0] =	wrdreg $0x60  }
0x26: {  	[dreg:$0x2] =	wrdreg s25  }
0x27: {  	[dreg:$0x3] =	wrdreg s2  }
0x28: {  	[dreg:$0x4] =	wrdreg $0x9  }
0x29: {  	_ =	task.clear_ibuf [dreg:s7], $0x5FFFF;
	_ =	strace $0x90000049  }
0x2a: {  	s29 =	simm.s32 $0x9;
	_ =	strace $0x8000004B  }
0x2b: {  	_ =	swait.ge [sflag:s29], $0x1  }
0x2c: {  	[sflag:s29] =	ssyncadd.s32 $0xFFFFFFFF  }
0x2d: {  	_ =	strace $0x9000004B  }
0x2e: {  	_ =	sfence  }
0x2f: {  	s30 =	sld [smem:$0x0];
	_ =	sdelay $0x2  }
0x30: {  	s31 =	sshll.u32 s1, $0xD;
	s1 =	sshrl.u32 s1, $0x2  }
0x31: {  	s3 =	sand.u32 $0x4000, s31;
	s1 =	sadd.s32 s1, s30  }
0x32: {  	s0 =	sor.u32 s3, s0;
	s1 =	sshll.u32 s1, $0x11  }
0x33: {  	s0 =	sor.u32 s1, s0  }
0x34: {  	s0 =	sadd.s32 $0x8F2B, s0  }
0x35: {  	[sflag:s0] =	ssyncadd.remote.s32 $0x1  }
0x36: {  	_ =	sfence.sel $0xFFFF  }
0x37: {  	[dreg:$0x0] =	wrdreg $0xFFFFFFFF;
	(pc) =	sbr.abs _section_cstart, $3  }
0x38: {  	[dreg:$0x1] =	wrdreg $0xFFFFFFFF  }
0x39: {  	_ =	task.clear_ibuf [dreg:s7], $0x2FFFF;
	_ =	strace $0x9FFFFFFF  }
0x3a: {  	(tm) =	ssettm $0x7FFFFFFF  }
0x3b: {  	_ =	shalt  }
tec
execute0_lowered:
.L_overlay_start_1:
0x0: {  	(tag) =	ssettag $0x1  }
0x1: {  	s0 =	srdreg.scid  }
0x2: {  	s1 =	sshll.u32 s0, $0x4  }
0x3: {  	s0 =	stileid.u32;
	s1 =	sand.u32 $0x10, s1  }
0x4: {  	s1 =	sor.u32 s0, s1  }
0x5: {  	s6 =	rddreg [dreg:$0x0];
	s4 =	simm.s32 $0x1;
	s2 =	sshll.u32 s1, $0x7  }
0x6: {  	s7 =	simm.s32 $0x2;
	s12 =	simm.s32 $0x0;
	s1 =	ssub.s32 $0x4000, s2  }
0x7: {  	s8 =	simm.s32 $0x20000;
	s13 =	simm.s32 $0x0;
	s3 =	sand.u32 $0xF80, s1  }
0x8: {  	s9 =	simm.s32 $0x0;
	s5 =	sshrl.u32 s1, $0xC;
	p0 =	sne.s32 s3, $0x0  }
.Ltmp0:
0x9: {  	s1 =	rddreg [dreg:$0x2];
	s4 =	simm.s32 @!p0 $0x0;
	(pc) =	sbr.rel .LBB1_1-.Ltmp0, $4  }
0xa: {  	s11 =	simm.s32 $0x0;
	s3 =	rddreg [dreg:$0x1];
	s5 =	sadd.s32 s4, s5  }
0xb: {  	_ =	strace $0x8000004A;
	s4 =	simm.s32 $0x1;
	s5 =	smul.u32 $0xC8, s5  }
0xc: {  	s6 =	sadd.s32 $0x800, s6;
	s10 =	smov.u32 s2;
	[sflag:s4] =	ssyncpa.u1 $0x0  }
0xd: {  	p0 =	por $0x0, $0x0;
	[sflag:s7] =	ssyncpa.u1 $0x0;
	s7 =	sor.u32 $0x1, s5  }
.LBB1_4:
0xe: {  	s16 =	sshll.u32 s13, $0x3;
	s17 =	sand.u32 $0x78, s13  }
0xf: {  	s30 =	sand.u32 $0x1F800, s13;
	s12 =	sshll.u32 s12, $0x11;
	s16 =	sand.u32 $0x3C00, s16  }
0x10: {  	[tilespmem:s15+$0x810 ss:$0x81] =	vst.msk $0xffff, v2;
	s31 =	sand.u32 $0x7, s13;
	s16 =	sor.u32 s17, s16;
	s17 =	sadd.s32 s3, s30  }
0x11: {  	[tilespmem:s15+$0x1020 ss:$0x81] =	vst.msk $0xffff, v0;
	s13 =	sshll.u32 s31, $0x12;
	s12 =	sadd.s32 s12, s17;
	s16 =	sshrl.u32 s16, $0x3  }
0x12: {  	[tilespmem:s15+$0x0 ss:$0x81] =	vst.msk $0xffff, v1;
	s13 =	sor.u32 $0x400, s13;
	s12 =	sadd.s32 s16, s12  }
0x13: {  	[hbm4b:s12+s13] =	stream.strided.scatter [tilespmem:s14], [sflag:$0x2], $0x2000, s8, s13, $0x20;
	[tilespmem:$0x8080] =	vst v63  }
.LBB1_5:
0x14: {  	s14 =	sadd.s32 $0x1, s9  }
0x15: {  	s12 =	sadd.s32 $0x1000, s10;
	s16 =	smov.u32 s10;
	p2 =	sgt.s32 s14, $0xC7  }
0x16: {  	s16 =	smov.u32 @p2 s12  }
0x17: {  	s14 =	simm.s32 @p2 $0x0;
	p2 =	sgt.s32 s16, $0x3FFF  }
0x18: {  	s16 =	smov.u32 @p2 s2;
	p2 =	sne.s32 s11, s7  }
.Ltmp1:
0x19: {  	p1 =	slt.u32 s11, $0x2;
	(pc) =	sbr.rel @!p2 .LBB1_6-.Ltmp1, $4  }
0x1a: {  	s15 =	simm.s32 @!p1 $0x2  }
0x1b: {  	s13 =	smov.u32 s10;
	p0 =	por !p0, !p0;
	_ =	swait.ge @!p1 [sflag:s15], $0x2000  }
0x1c: {  	s12 =	smov.u32 s9;
	[sflag:s15] =	ssyncset.done @!p1 $0x0;
	s9 =	smov.u32 s14  }
0x1d: {  	s11 =	sadd.s32 $0x1, s11;
	[sflag:s15] =	ssyncadd.s32 @!p1 $0xFFFFE000;
	s10 =	smov.u32 s16  }
.LBB1_1:
0x1e: {  	p1 =	sge.u32 s11, s5  }
0x1f: {  	s14 =	sand.u32 @!p1 $0x1FFFFFF, s9  }
0x20: {  	s15 =	smulhi.u32 @!p1 $0x147AE15, s14;
	_ =	sdelay $0x1  }
0x21: {  	s15 =	smul.u32 @!p1 $0xC8, s15  }
0x22: {  	s16 =	sxor.u32 @!p1 $0xFFFFFFFF, s11;
	s17 =	smul.u32 @!p1 $0xC80, s10  }
0x23: {  	s31 =	sadd.s32 $0xFFFFFFFF, s11;
	s16 =	sshll.u32 @!p1 s16, $0xD;
	s14 =	ssub.s32 @!p1 s14, s15  }
0x24: {  	s15 =	sand.u32 @!p1 $0x2000, s16;
	s16 =	sadd.s32 @!p1 s6, s17;
	s14 =	sshll.u32 @!p1 s14, $0x4  }
0x25: {  	s17 =	simm.s32 @!p1 $0x6400;
	s14 =	sadd.s32 @!p1 s14, s16;
	s16 =	simm.s32 @!p1 $0x40  }
0x26: {  	[tilespmem:s15], [sflag:$0x1] =	stream.strided.gather @!p1 [hbm4b:s14+s16], $0x2000, s17, s16, $0x38;
	[tilespmem:$0x8080] =	vst v63  }
0x27: {  	p1 =	sge.u32 s31, s5  }
.Ltmp2:
0x28: {  	_ = 	snop;
	(pc) =	sbr.rel @p1 .LBB1_5-.Ltmp2, $1  }
0x29: {  	_ =	sdelay $0x3  }
0x2a: {  	s14 =	simm.s32 $0x1  }
0x2b: {  	_ =	swait.ge [sflag:s4], $0x2000;
	s14 =	simm.s32 @!p0 $0x0  }
0x2c: {  	[sflag:s4] =	ssyncset.done $0x0;
	s15 =	sshll.u32 s14, $0xD  }
0x2d: {  	[sflag:s4] =	ssyncadd.s32 $0xFFFFE000;
	s18 =	sor.u32 $0x20, s15  }
0x2e: {  	s14 =	smul.u32 $0x8100, s14;
	v3 =	vld [tilespmem:s18+$0x10]  }
0x2f: {  	s30 =	sand.u32 $0x1, s11;
	v2 =	vld [tilespmem:s18+$0xFFFFFFF0]  }
0x30: {  	s15 =	smul.u32 $0x8100, s30;
	s14 =	sshrl.u32 s14, $0x2;
	v0 =	vld [tilespmem:s18+$0x0]  }
0x31: {  	v1 =	vld [tilespmem:s18+$0xFFFFFFE0];
	s16 =	sor.u32 $0x4000, s14  }
0x32: {  	s31 =	sshrl.u32 s15, $0x2;
	s15 =	sadd.s32 $0x0, s16  }
0x33: {  	s17 =	simm.s32 $0x4;
	s18 =	sadd.s32 $0x40, s18;
	s14 =	sor.u32 $0x4000, s31;
	[tilespmem:s15+$0x1830 ss:$0x81] =	vst.msk $0xffff, v3  }
.LBB1_3:
0x34: {  	v3 =	vld [tilespmem:s18+$0x10];
	p1 =	sne.s32 s17, $0x1FC;
	[tilespmem:s15+$0x810 ss:$0x81] =	vst.msk $0xffff, v2;
	s19 =	smov.u32 s17;
	s17 =	sadd.s32 $0x4, s17  }
.Ltmp3:
0x35: {  	v2 =	vld [tilespmem:s18+$0xFFFFFFF0];
	[tilespmem:s15+$0x1020 ss:$0x81] =	vst.msk $0xffff, v0;
	(pc) =	sbr.rel @p1 .LBB1_3-.Ltmp3, $4  }
0x36: {  	v0 =	vld [tilespmem:s18+$0x0];
	[tilespmem:s15+$0x0 ss:$0x81] =	vst.msk $0xffff, v1  }
0x37: {  	s15 =	sshra.s32 s19, $0x2;
	v1 =	vld [tilespmem:s18+$0xFFFFFFE0]  }
0x38: {  	s15 =	sadd.s32 s15, s16  }
0x39: {  	s18 =	sadd.s32 $0x40, s18;
	[tilespmem:s15+$0x1830 ss:$0x81] =	vst.msk $0xffff, v3  }
.Ltmp4:
0x3a: {  	_ = 	snop;
	(pc) =	sbr.rel .LBB1_4-.Ltmp4, $1  }
0x3b: {  	_ =	sdelay $0x3  }
.LBB1_6:
0x3c: {  	_ =	sfence.sel $0x180000  }
0x3d: {  	s2 =	simm.s32 $0x1;
	[bflag:$0x0] =	sbarrier.arrive $0xFFFF  }
0x3e: {  	s31 =	simm.s32 $0x2;
	[sflag:s2] =	ssyncpa.u1 $0x1  }
0x3f: {  	[sflag:s31] =	ssyncpa.u1 $0x1  }
0x40: {  	p0 =	sne.s32 s0, $0x0;
	_ =	strace $0x9000004A  }
0x41: {  	s0 =	sadd.s32 @!p0 $0x100000, s1;
	[bflag:$0x2] =	sbarrier.arrive $0xFFFF  }
0x42: {  	[sflag:s0] =	ssyncadd.tile.s32 @!p0 $0x1;
	_ =	shalt  }
.Lfunc_end1:
_tile_overlayer_lowered:
.L_overlay_start_2:
0x43: {  	(tag) =	ssettag $0x2  }
0x44: {  	s0 =	rddreg [dreg:$0x0];
	s2 =	stileid.u32  }
0x45: {  	s1 =	rddreg [dreg:$0x1];
	p0 =	sne.s32 s2, $0x0  }
0x46: {  	s3 =	rddreg [dreg:$0x2];
	[bflag:$0x3] =	sbarrier.arrive $0xFFFF;
	s2 =	simm.s32 @!p0 $0x1C01  }
0x47: {  	[timem:s3], [sflag:s2] =	dma.local @!p0 [hbm:s0], s1  }
0x48: {  	s0 =	simm.s32 @!p0 $0x1  }
0x49: {  	_ =	swait.ge @!p0 [sflag:s0], s1  }
0x4a: {  	s1 =	ssub.s32 @!p0 $0x0, s1;
	[sflag:s0] =	ssyncset.done @!p0 $0x0  }
0x4b: {  	[sflag:s0] =	ssyncadd.s32 @!p0 s1  }
0x4c: {  	[bflag:$0x3] =	sbarrier.arrive $0xFFFF  }
0x4d: {  	_ =	shalt  }

</sc_bundles>
